<compile_context>
chip_gen: v7x
topology: tpu7x:2x2x1
jax: 0.10.2.dev20260603
libtpu: 0.0.44.dev20260713+nightly
codegen_flags: <defaults>
</compile_context>

<pallas_src>
import functools

import jax
import jax.numpy as jnp
from jax.experimental import pallas as pl
from jax.experimental.pallas import tpu as pltpu

_TTI = 128
_TTJ = 64
_TMI = 128
_TMJ = 256
_G = 8


def _bdiag(w, g=_G):
    k, nn = w.shape
    out = jnp.zeros((g * k, g * nn), jnp.float32)
    for q in range(g):
        out = out.at[q * k:(q + 1) * k, q * nn:(q + 1) * nn].set(w)
    return out


def _tile(w, g=_G):
    return jnp.concatenate([w] * g, axis=-1)


def _rep16(w):
    return jnp.broadcast_to(w, (w.shape[0], 16))


def _pack_mlp(p):
    l, a = p["logic"], p["alpha"]
    wc = jnp.concatenate([l["W1"], a["W1"]], axis=1)
    bc = jnp.concatenate([l["b1"], a["b1"]])[None, :]
    w2 = jnp.zeros((64, 17), jnp.float32)
    w2 = w2.at[0:32, 0:16].set(l["W2"]).at[32:64, 16:17].set(a["W2"])
    b2 = jnp.concatenate([l["b2"], a["b2"]])[None, :]
    return wc, bc, w2, b2


def _pack_l02(p):
    l, a = p["logic"], p["alpha"]
    perm = lambda w: jnp.concatenate([w[32:64], w[0:32]], axis=0)
    wc = jnp.concatenate([l["W1"], a["W1"], perm(l["W1"]), perm(a["W1"])], axis=1)
    bc = jnp.concatenate([l["b1"], a["b1"], l["b1"], a["b1"]])[None, :]
    w_xi, w_a, w_xj, w_b = wc[0:16], wc[16:32], wc[32:48], wc[48:64]
    w2l = jnp.zeros((128, 32), jnp.float32)
    w2l = w2l.at[0:32, 0:16].set(l["W2"]).at[64:96, 16:32].set(l["W2"])
    w2a = jnp.zeros((128, 32), jnp.float32)
    w2a = w2a.at[32:64, 0:16].set(_rep16(a["W2"]))
    w2a = w2a.at[96:128, 16:32].set(_rep16(a["W2"]))
    b2l = jnp.concatenate([l["b2"], l["b2"]])[None, :]
    b2a = _tile(_rep16(a["b2"][None]), 2)
    wap = _bdiag(w_a)
    wbp = _bdiag(w_b)
    wxit = _tile(w_xi)
    bct = _tile(bc)
    w2p = jnp.concatenate([_bdiag(0.5 * w2l), _bdiag(0.5 * w2a)], axis=1)
    b2p = jnp.concatenate([_tile(0.5 * b2l), _tile(0.5 * b2a)], axis=1)
    return wap, wbp, wxit, bct, _bdiag(w_xj), w2p, b2p


def _pack_l12(p):
    l, a = p["logic"], p["alpha"]
    wc = jnp.concatenate([l["W1"], a["W1"]], axis=1)
    bc = jnp.concatenate([l["b1"], a["b1"]])[None, :]
    w_ui, w_t, w_uj, w_tp = wc[0:16], wc[16:32], wc[32:48], wc[48:64]
    wq = 0.25 * jnp.concatenate([w_t, w_tp], axis=0)
    wqp = _bdiag(wq)
    wuit = _tile(w_ui)
    bdt = _tile(bc)
    w2l1 = jnp.zeros((64, 16), jnp.float32).at[0:32].set(l["W2"])
    w2a1 = jnp.zeros((64, 16), jnp.float32).at[32:64].set(_rep16(a["W2"]))
    w2p = jnp.concatenate([_bdiag(0.5 * w2l1), _bdiag(0.5 * w2a1)], axis=1)
    b2p = jnp.concatenate([_tile(0.5 * l["b2"][None]),
                           _tile(0.5 * _rep16(a["b2"][None]))], axis=1)
    return wqp, wuit, bdt, _bdiag(w_uj), w2p, b2p


def _dot(x, w):
    return jnp.dot(x, w, preferred_element_type=jnp.float32)


def _sig(x):
    return 0.5 * jnp.tanh(0.5 * x) + 0.5


def _mlp2(x, wc, bc, w2, b2):
    h = jnp.maximum(_dot(x, wc) + bc, 0.0)
    g = _dot(h, w2) + b2
    return _sig(g[:, 0:16]) * _sig(g[:, 16:17])


def _kernel_a(x2_ref, x1_ref, wc0, bc0, w20, b20, wc1, bc1, w21, b21,
              out00_ref, out10_ref, red_ref, *, nt):
    b = pl.program_id(0)
    i = pl.program_id(1)
    j = pl.program_id(2)
    t = out10_ref.shape[1]
    blk = x2_ref[0]
    gb = blk.shape[1]
    ii = jax.lax.broadcasted_iota(jnp.int32, (t, gb, 128), 0) + i * t
    jb = jax.lax.broadcasted_iota(jnp.int32, (t, gb, 128), 1)
    ln = jax.lax.broadcasted_iota(jnp.int32, (t, gb, 128), 2)
    jl = j * t + jb * _G + ln // 16
    eq = ii == jl
    ex3 = jnp.where(eq, 0.0, blk)
    fa3 = jnp.where(eq, 1.0, blk)
    k = gb
    while k > 1:
        h = k // 2
        ex3 = jnp.maximum(ex3[:, :h], ex3[:, h:])
        fa3 = jnp.minimum(fa3[:, :h], fa3[:, h:])
        k = h
    ex2 = ex3[:, 0]
    fa2 = fa3[:, 0]
    w_ = 128
    while w_ > 16:
        h = w_ // 2
        ex2 = jnp.maximum(ex2[:, :h], ex2[:, h:])
        fa2 = jnp.minimum(fa2[:, :h], fa2[:, h:])
        w_ = h
    ex = ex2
    fa = fa2
    prev = red_ref[...]
    ex = jnp.where(j == 0, ex, jnp.maximum(prev[:, 0:16], ex))
    fa = jnp.where(j == 0, fa, jnp.minimum(prev[:, 16:32], fa))
    red_ref[...] = jnp.concatenate([ex, fa], axis=-1)

    @pl.when(j == nt - 1)
    def _():
        x1i = x1_ref[0, pl.ds(i * t, t), :]
        red = red_ref[...]
        f1 = jnp.concatenate([x1i, red], axis=-1)
        out10_ref[0] = _mlp2(f1, wc1[...], bc1[...], w21[...], b21[...])

    @pl.when(jnp.logical_and(i == 0, j == 0))
    def _():
        x1f = x1_ref[0]
        r1 = jnp.concatenate([jnp.max(x1f, axis=0), jnp.min(x1f, axis=0)])[None, :]
        out00_ref[pl.ds(b, 1), :] = _mlp2(r1, wc0[...], bc0[...], w20[...], b20[...])


def _kernel_m(x2a_ref, x2b_ref, x1i_ref, x1jp_ref, u10_ref, u10p_ref, u00_ref,
              wap, wbp, wxit, bct, wxj, w2p, b2p,
              wqp, wuit, bdt, wuj, w2p1, b2p1,
              wd1, bd1, w2d1, b2d1,
              wd0, bd0, w2d0, b2d0,
              out2_ref, out1_ref, out0_ref, red_ref, *, nti, ntj):
    b = pl.program_id(0)
    i = pl.program_id(1)
    j = pl.program_id(2)
    ti = x1i_ref.shape[1]
    gb = x1jp_ref.shape[1]
    tj = gb * _G
    m8 = ti * gb

    a2 = x2a_ref[0].reshape(m8, 128)
    bt2 = x2b_ref[0].reshape(m8, 128)
    x1i = x1i_ref[0]
    x1jp = x1jp_ref[0]

    h2 = _dot(a2, wap[...]) + _dot(bt2, wbp[...])
    hxi = _dot(x1i, wxit[...]) + bct[...]
    hxj = _dot(x1jp, wxj[...])
    h3 = h2.reshape(ti, gb, 1024) + hxi[:, None, :] + hxj[None, :, :]
    h = jnp.maximum(h3, 0.0).reshape(m8, 1024)
    g = jnp.tanh(_dot(h, w2p[...]) + b2p[...])
    r = (1.0 + g[:, 0:256]) * (1.0 + g[:, 256:512])

    r3 = r.reshape(ti, gb, 256)
    ii = jax.lax.broadcasted_iota(jnp.int32, (ti, gb, 256), 0) + i * ti
    jb = jax.lax.broadcasted_iota(jnp.int32, (ti, gb, 256), 1)
    ln = jax.lax.broadcasted_iota(jnp.int32, (ti, gb, 256), 2)
    jj = j * tj + jb * _G + ln // 32
    eq = jnp.logical_and(ii == jj, (ln % 32) < 16)
    ex3 = jnp.where(eq, 0.0, r3)
    fa3 = jnp.where(eq, 4.0, r3)
    k = gb
    while k > 1:
        h_ = k // 2
        ex3 = jnp.maximum(ex3[:, :h_], ex3[:, h_:])
        fa3 = jnp.minimum(fa3[:, :h_], fa3[:, h_:])
        k = h_
    ex2 = ex3[:, 0]
    fa2 = fa3[:, 0]
    w_ = 256
    while w_ > 32:
        h_ = w_ // 2
        ex2 = jnp.maximum(ex2[:, :h_], ex2[:, h_:])
        fa2 = jnp.minimum(fa2[:, :h_], fa2[:, h_:])
        w_ = h_
    ex = ex2[:, 0:16]
    fa = fa2[:, 0:16]
    prev = red_ref[...]
    ex = jnp.where(j == 0, ex, jnp.maximum(prev[:, 0:16], ex))
    fa = jnp.where(j == 0, fa, jnp.minimum(prev[:, 16:32], fa))
    red_ref[...] = jnp.concatenate([ex, fa], axis=-1)

    u1i = u10_ref[0, pl.ds(i * ti, ti), :]
    u1jp = u10p_ref[0, pl.ds(j * gb, gb), :]
    q2 = _dot(r, wqp[...])
    qxi = _dot(u1i, wuit[...]) + bdt[...]
    qxj = _dot(u1jp, wuj[...])
    q3 = q2.reshape(ti, gb, 512) + qxi[:, None, :] + qxj[None, :, :]
    h1 = jnp.maximum(q3, 0.0).reshape(m8, 512)
    g1 = jnp.tanh(_dot(h1, w2p1[...]) + b2p1[...])
    o = (0.25 + 0.25 * g1[:, 0:128]) * (1.0 + g1[:, 128:256])
    out2_ref[0] = o.reshape(ti, gb, 128)

    @pl.when(j == ntj - 1)
    def _():
        red = red_ref[...]
        u00b = jnp.broadcast_to(u00_ref[pl.ds(b, 1), :], (ti, 16))
        f1 = jnp.concatenate([u00b, u1i, red], axis=-1)
        out1_ref[0] = _mlp2(f1, wd1[...], bd1[...], w2d1[...], b2d1[...])

    @pl.when(jnp.logical_and(j == ntj - 1, i == nti - 1))
    def _():
        u1f = u10_ref[0]
        r1 = jnp.concatenate([jnp.max(u1f, axis=0), jnp.min(u1f, axis=0)])[None, :]
        f0 = jnp.concatenate([u00_ref[pl.ds(b, 1), :], r1], axis=-1)
        out0_ref[pl.ds(b, 1), :] = _mlp2(f0, wd0[...], bd0[...], w2d0[...], b2d0[...])


@jax.jit
def kernel(x1, x2, params):
    bsz, n, c = x1.shape

    p00, p01, p02 = params[0]
    p10, p11, p12 = params[1]
    wa0 = _pack_mlp(p00)
    wa1 = _pack_mlp(p01)
    wm2 = _pack_l02(p02)
    wq2 = _pack_l12(p12)
    wd1 = _pack_mlp(p11)
    wd1 = (wd1[0].at[32:64].multiply(0.25), *wd1[1:])
    wd0 = _pack_mlp(p10)

    x2p = x2.reshape(bsz, n, n // _G, _G * c)
    x2tp = jnp.swapaxes(x2, 1, 2).reshape(bsz, n, n // _G, _G * c)
    ta = _TTI
    nta = n // ta
    wfull_t = [pl.BlockSpec(w.shape, functools.partial(lambda nd, b, i, j: (0,) * nd, w.ndim))
               for w in (*wa0, *wa1)]
    out00, out10 = pl.pallas_call(
        functools.partial(_kernel_a, nt=nta),
        grid=(bsz, nta, nta),
        in_specs=[
            pl.BlockSpec((1, ta, ta // _G, _G * c), lambda b, i, j: (b, i, j, 0)),
            pl.BlockSpec((1, n, c), lambda b, i, j: (b, 0, 0)),
            *wfull_t,
        ],
        out_specs=[
            pl.BlockSpec((bsz, c), lambda b, i, j: (0, 0)),
            pl.BlockSpec((1, ta, c), lambda b, i, j: (b, i, 0)),
        ],
        out_shape=[
            jax.ShapeDtypeStruct((bsz, c), jnp.float32),
            jax.ShapeDtypeStruct((bsz, n, c), jnp.float32),
        ],
        scratch_shapes=[pltpu.VMEM((ta, 2 * c), jnp.float32)],
    )(x2p, x1, *wa0, *wa1)

    ti, tj = _TMI, _TMJ
    nti, ntj = n // ti, n // tj
    weights_m = (*wm2, *wq2, *wd1, *wd0)
    wfull_m = [pl.BlockSpec(w.shape, functools.partial(lambda nd, b, i, j: (0,) * nd, w.ndim))
               for w in weights_m]
    gb = tj // _G
    out2p, out1, out0 = pl.pallas_call(
        functools.partial(_kernel_m, nti=nti, ntj=ntj),
        grid=(bsz, nti, ntj),
        in_specs=[
            pl.BlockSpec((1, ti, gb, _G * c), lambda b, i, j: (b, i, j, 0)),
            pl.BlockSpec((1, ti, gb, _G * c), lambda b, i, j: (b, i, j, 0)),
            pl.BlockSpec((1, ti, c), lambda b, i, j: (b, i, 0)),
            pl.BlockSpec((1, gb, _G * c), lambda b, i, j: (b, j, 0)),
            pl.BlockSpec((1, n, c), lambda b, i, j: (b, 0, 0)),
            pl.BlockSpec((1, n // _G, _G * c), lambda b, i, j: (b, 0, 0)),
            pl.BlockSpec((bsz, c), lambda b, i, j: (0, 0)),
            *wfull_m,
        ],
        out_specs=[
            pl.BlockSpec((1, ti, gb, _G * c), lambda b, i, j: (b, i, j, 0)),
            pl.BlockSpec((1, ti, c), lambda b, i, j: (b, i, 0)),
            pl.BlockSpec((bsz, c), lambda b, i, j: (0, 0)),
        ],
        out_shape=[
            jax.ShapeDtypeStruct((bsz, n, n // _G, _G * c), jnp.float32),
            jax.ShapeDtypeStruct((bsz, n, c), jnp.float32),
            jax.ShapeDtypeStruct((bsz, c), jnp.float32),
        ],
        scratch_shapes=[pltpu.VMEM((ti, 2 * c), jnp.float32)],
    )(x2p, x2tp, x1, x1.reshape(bsz, n // _G, _G * c), out10,
      out10.reshape(bsz, n // _G, _G * c), out00, *weights_m)

    return (out0, out1, out2p.reshape(bsz, n, n, c))

# --- scband reference (transcript-rebuilt; emitter-appended) ---
"""Pipeline reference for scband-sparse-logic-machine-90580860273065 (READ-ONLY COPY).

The authoritative reference and input builder live on the scoring server;
editing this copy changes nothing except your own understanding.
"""

import jax, jax.numpy as jnp
import numpy as np

B, N, C = 4, 512, 16
HIDDEN = 32
DEPTH = 2
BREADTH = 2
OUT = 16
FACT = [1, 1, 2]


def _mlp_params(key, din, dout, hidden):
    k1, k2 = jax.random.split(key)
    s1 = 1.0 / np.sqrt(din)
    s2 = 1.0 / np.sqrt(hidden)
    return {"W1": jax.random.uniform(k1, (din, hidden), minval=-s1, maxval=s1, dtype=jnp.float32),
            "b1": jnp.zeros((hidden,), jnp.float32),
            "W2": jax.random.uniform(k2, (hidden, dout), minval=-s2, maxval=s2, dtype=jnp.float32),
            "b2": jnp.zeros((dout,), jnp.float32)}


def _layer_in_dims(input_dims):
    dims = []
    for i in range(BREADTH + 1):
        d = 0
        if i > 0:
            d += input_dims[i - 1]
        d += input_dims[i]
        if i + 1 <= BREADTH:
            d += 2 * input_dims[i + 1]
        dims.append(d)
    return dims


def setup_inputs(seed: int = 0):
    key = jax.random.key(seed)
    k1, k2, kp = jax.random.split(key, 3)
    x1 = jax.random.uniform(k1, (B, N, C), dtype=jnp.float32)
    x2 = jax.random.uniform(k2, (B, N, N, C), dtype=jnp.float32)
    params = []
    input_dims = [0, C, C]
    for l in range(DEPTH):
        dims = _layer_in_dims(input_dims)
        layer_params = []
        out_dims = []
        for i in range(BREADTH + 1):
            if dims[i] == 0:
                layer_params.append(None)
                out_dims.append(0)
                continue
            din = dims[i] * FACT[i]
            kp, ka, kb = jax.random.split(kp, 3)
            layer_params.append({"logic": _mlp_params(ka, din, OUT, HIDDEN),
                                 "alpha": _mlp_params(kb, din, 1, HIDDEN)})
            out_dims.append(OUT)
        params.append(layer_params)
        input_dims = out_dims
    return {"x1": x1, "x2": x2, "params": params}


def _mlp_apply(p, x):
    h = jax.nn.relu(x @ p["W1"] + p["b1"])
    return jax.nn.sigmoid(h @ p["W2"] + p["b2"])


def _expand(x, n):
    return jnp.broadcast_to(jnp.expand_dims(x, -2), x.shape[:-1] + (n, x.shape[-1]))


def _reduce(x, order, exclude_self=True):
    if exclude_self and order >= 2:
        n = x.shape[-2]
        mask = (1.0 - jnp.eye(n, dtype=x.dtype)).reshape((1,) * (x.ndim - 3) + (n, n, 1))
        inp0 = x * mask
        inp1 = x * mask + (1.0 - mask)
    else:
        inp0 = x
        inp1 = x
    exists = jnp.max(inp0, axis=-2)
    forall = jnp.min(inp1, axis=-2)
    return jnp.concatenate([exists, forall], axis=-1)


def _nlm_forward(x1, x2, params):
    n = x1.shape[1]
    inputs = [None, x1, x2]
    input_dims = [0, x1.shape[-1], x2.shape[-1]]
    for l in range(DEPTH):
        outputs = []
        out_dims = []
        for i in range(BREADTH + 1):
            f = []
            if i > 0 and input_dims[i - 1] > 0:
                f.append(_expand(inputs[i - 1], n))
            if input_dims[i] > 0:
                f.append(inputs[i])
            if i + 1 <= BREADTH and input_dims[i + 1] > 0:
                f.append(_reduce(inputs[i + 1], i + 1))
            if len(f) == 0:
                outputs.append(None)
                out_dims.append(0)
                continue
            f = jnp.concatenate(f, axis=-1)
            if i == 2:
                f = jnp.concatenate([f, jnp.swapaxes(f, 1, 2)], axis=-1)
            p = params[l][i]
            out = _mlp_apply(p["logic"], f)
            alpha = _mlp_apply(p["alpha"], f)
            outputs.append(out * alpha)
            out_dims.append(OUT)
        inputs = outputs
        input_dims = out_dims
    return tuple(t for t in inputs if t is not None)


def reference(x1, x2, params):
    return _nlm_forward(x1, x2, params)

if __name__ == "__main__":
    import jax
    _d = setup_inputs()
    print(jax.jit(kernel)(*tuple(_d.values())))

</pallas_src>

<mosaic_0001>
module attributes {stable_mosaic.version = 14 : i64} {
  func.func @_kernel_a(%arg0: i32, %arg1: i32, %arg2: i32, %arg3: memref<1x128x16x128xf32, #tpu.memory_space<vmem>>, %arg4: memref<1x512x16xf32, #tpu.memory_space<vmem>>, %arg5: memref<32x64xf32, #tpu.memory_space<vmem>>, %arg6: memref<1x64xf32, #tpu.memory_space<vmem>>, %arg7: memref<64x17xf32, #tpu.memory_space<vmem>>, %arg8: memref<1x17xf32, #tpu.memory_space<vmem>>, %arg9: memref<48x64xf32, #tpu.memory_space<vmem>>, %arg10: memref<1x64xf32, #tpu.memory_space<vmem>>, %arg11: memref<64x17xf32, #tpu.memory_space<vmem>>, %arg12: memref<1x17xf32, #tpu.memory_space<vmem>>, %arg13: memref<4x16xf32, #tpu.memory_space<vmem>>, %arg14: memref<1x128x16xf32, #tpu.memory_space<vmem>>, %arg15: memref<128x32xf32, #tpu.memory_space<vmem>>) attributes {dimension_semantics = [#tpu.dimension_semantics<arbitrary>, #tpu.dimension_semantics<arbitrary>, #tpu.dimension_semantics<arbitrary>], iteration_bounds = array<i64: 4, 4, 4>, scalar_prefetch = 0 : i64, scratch_operands = 1 : i64, tpu.core_type = #tpu.core_type<tc>, window_params = [{transform_indices = @transform_0, window_bounds = array<i64: 1, 128, 16, 128>}, {transform_indices = @transform_1, window_bounds = array<i64: 1, 512, 16>}, {pipeline_mode = #tpu.pipeline_mode<synchronous>, transform_indices = @transform_2, window_bounds = array<i64: 32, 64>}, {pipeline_mode = #tpu.pipeline_mode<synchronous>, transform_indices = @transform_3, window_bounds = array<i64: 1, 64>}, {pipeline_mode = #tpu.pipeline_mode<synchronous>, transform_indices = @transform_4, window_bounds = array<i64: 64, 17>}, {pipeline_mode = #tpu.pipeline_mode<synchronous>, transform_indices = @transform_5, window_bounds = array<i64: 1, 17>}, {pipeline_mode = #tpu.pipeline_mode<synchronous>, transform_indices = @transform_6, window_bounds = array<i64: 48, 64>}, {pipeline_mode = #tpu.pipeline_mode<synchronous>, transform_indices = @transform_7, window_bounds = array<i64: 1, 64>}, {pipeline_mode = #tpu.pipeline_mode<synchronous>, transform_indices = @transform_8, window_bounds = array<i64: 64, 17>}, {pipeline_mode = #tpu.pipeline_mode<synchronous>, transform_indices = @transform_9, window_bounds = array<i64: 1, 17>}, {pipeline_mode = #tpu.pipeline_mode<synchronous>, transform_indices = @transform_10, window_bounds = array<i64: 4, 16>}, {transform_indices = @transform_11, window_bounds = array<i64: 1, 128, 16>}]} {
    %get3A = arith.constant 0 : index
    %get3A_0 = arith.constant 0 : index
    %get3A_1 = arith.constant 0 : index
    %get3A_2 = arith.constant 0 : index
    %get3A_3 = vector.load %arg3[%get3A, %get3A_0, %get3A_1, %get3A_2] : memref<1x128x16x128xf32, #tpu.memory_space<vmem>>, vector<1x128x16x128xf32>
    %get3A_4 = vector.shape_cast %get3A_3 : vector<1x128x16x128xf32> to vector<128x16x128xf32>
    %iota3A = tpu.iota {dimensions = array<i32: 0>} : vector<128x16x128xi32>
    %mul3A = arith.constant 128 : i32
    %mul3A_5 = arith.muli %arg1, %mul3A : i32
    %add3A = vector.broadcast %mul3A_5 : i32 to vector<128x16x128xi32>
    %add3A_6 = arith.addi %iota3A, %add3A : vector<128x16x128xi32>
    %iota3A_7 = tpu.iota {dimensions = array<i32: 1>} : vector<128x16x128xi32>
    %iota3A_8 = tpu.iota {dimensions = array<i32: 2>} : vector<128x16x128xi32>
    %mul3A_9 = arith.constant 128 : i32
    %mul3A_10 = arith.muli %arg2, %mul3A_9 : i32
    %mul3A_11 = arith.constant 8 : i32
    %mul3A_12 = vector.broadcast %mul3A_11 : i32 to vector<128x16x128xi32>
    %mul3A_13 = arith.muli %iota3A_7, %mul3A_12 : vector<128x16x128xi32>
    %add3A_14 = vector.broadcast %mul3A_10 : i32 to vector<128x16x128xi32>
    %add3A_15 = arith.addi %add3A_14, %mul3A_13 : vector<128x16x128xi32>
    %jit3A = arith.constant 16 : i32
    %div3A = vector.broadcast %jit3A : i32 to vector<128x16x128xi32>
    %div3A_16 = arith.divsi %iota3A_8, %div3A : vector<128x16x128xi32>
    %sign3A = arith.constant 0 : i32
    %sign3A_17 = vector.broadcast %sign3A : i32 to vector<128x16x128xi32>
    %sign3A_18 = arith.cmpi sgt, %iota3A_8, %sign3A_17 : vector<128x16x128xi32>
    %sign3A_19 = arith.extui %sign3A_18 : vector<128x16x128xi1> to vector<128x16x128xi32>
    %sign3A_20 = arith.constant 0 : i32
    %sign3A_21 = vector.broadcast %sign3A_20 : i32 to vector<128x16x128xi32>
    %sign3A_22 = arith.cmpi slt, %iota3A_8, %sign3A_21 : vector<128x16x128xi32>
    %sign3A_23 = arith.extui %sign3A_22 : vector<128x16x128xi1> to vector<128x16x128xi32>
    %sign3A_24 = arith.subi %sign3A_19, %sign3A_23 : vector<128x16x128xi32>
    %sign3A_25 = arith.constant 0 : i32
    %sign3A_26 = arith.cmpi sgt, %jit3A, %sign3A_25 : i32
    %sign3A_27 = arith.extui %sign3A_26 : i1 to i32
    %sign3A_28 = arith.constant 0 : i32
    %sign3A_29 = arith.cmpi slt, %jit3A, %sign3A_28 : i32
    %sign3A_30 = arith.extui %sign3A_29 : i1 to i32
    %sign3A_31 = arith.subi %sign3A_27, %sign3A_30 : i32
    %ne3A = vector.broadcast %sign3A_31 : i32 to vector<128x16x128xi32>
    %ne3A_32 = arith.cmpi ne, %sign3A_24, %ne3A : vector<128x16x128xi32>
    %rem3A = vector.broadcast %jit3A : i32 to vector<128x16x128xi32>
    %rem3A_33 = arith.remsi %iota3A_8, %rem3A : vector<128x16x128xi32>
    %ne3A_34 = arith.constant 0 : i32
    %ne3A_35 = vector.broadcast %ne3A_34 : i32 to vector<128x16x128xi32>
    %ne3A_36 = arith.cmpi ne, %rem3A_33, %ne3A_35 : vector<128x16x128xi32>
    %and3A = arith.andi %ne3A_32, %ne3A_36 : vector<128x16x128xi1>
    %sub3A = arith.constant 1 : i32
    %sub3A_37 = vector.broadcast %sub3A : i32 to vector<128x16x128xi32>
    %sub3A_38 = arith.subi %div3A_16, %sub3A_37 : vector<128x16x128xi32>
    %select_n3A = arith.select %and3A, %sub3A_38, %div3A_16 : vector<128x16x128xi1>, vector<128x16x128xi32>
    %add3A_39 = arith.addi %add3A_15, %select_n3A : vector<128x16x128xi32>
    %eq3A = arith.cmpi eq, %add3A_6, %add3A_39 : vector<128x16x128xi32>
    %jit3A_40 = arith.constant 0.000000e+00 : f32
    %broadcast_in_dim3A = vector.broadcast %jit3A_40 : f32 to vector<128x16x128xf32>
    %select_n3A_41 = arith.select %eq3A, %broadcast_in_dim3A, %get3A_4 : vector<128x16x128xi1>, vector<128x16x128xf32>
    %jit3A_42 = arith.constant 1.000000e+00 : f32
    %broadcast_in_dim3A_43 = vector.broadcast %jit3A_42 : f32 to vector<128x16x128xf32>
    %select_n3A_44 = arith.select %eq3A, %broadcast_in_dim3A_43, %get3A_4 : vector<128x16x128xi1>, vector<128x16x128xf32>
    %slice3A = vector.extract_strided_slice %select_n3A_41 {offsets = [0, 0, 0], sizes = [128, 8, 128], strides = [1, 1, 1]} : vector<128x16x128xf32> to vector<128x8x128xf32>
    %slice3A_45 = vector.extract_strided_slice %select_n3A_41 {offsets = [0, 8, 0], sizes = [128, 8, 128], strides = [1, 1, 1]} : vector<128x16x128xf32> to vector<128x8x128xf32>
    %max3A = arith.maximumf %slice3A, %slice3A_45 : vector<128x8x128xf32>
    %slice3A_46 = vector.extract_strided_slice %select_n3A_44 {offsets = [0, 0, 0], sizes = [128, 8, 128], strides = [1, 1, 1]} : vector<128x16x128xf32> to vector<128x8x128xf32>
    %slice3A_47 = vector.extract_strided_slice %select_n3A_44 {offsets = [0, 8, 0], sizes = [128, 8, 128], strides = [1, 1, 1]} : vector<128x16x128xf32> to vector<128x8x128xf32>
    %min3A = arith.minimumf %slice3A_46, %slice3A_47 : vector<128x8x128xf32>
    %slice3A_48 = vector.extract_strided_slice %max3A {offsets = [0, 0, 0], sizes = [128, 4, 128], strides = [1, 1, 1]} : vector<128x8x128xf32> to vector<128x4x128xf32>
    %slice3A_49 = vector.extract_strided_slice %max3A {offsets = [0, 4, 0], sizes = [128, 4, 128], strides = [1, 1, 1]} : vector<128x8x128xf32> to vector<128x4x128xf32>
    %max3A_50 = arith.maximumf %slice3A_48, %slice3A_49 : vector<128x4x128xf32>
    %slice3A_51 = vector.extract_strided_slice %min3A {offsets = [0, 0, 0], sizes = [128, 4, 128], strides = [1, 1, 1]} : vector<128x8x128xf32> to vector<128x4x128xf32>
    %slice3A_52 = vector.extract_strided_slice %min3A {offsets = [0, 4, 0], sizes = [128, 4, 128], strides = [1, 1, 1]} : vector<128x8x128xf32> to vector<128x4x128xf32>
    %min3A_53 = arith.minimumf %slice3A_51, %slice3A_52 : vector<128x4x128xf32>
    %slice3A_54 = vector.extract_strided_slice %max3A_50 {offsets = [0, 0, 0], sizes = [128, 2, 128], strides = [1, 1, 1]} : vector<128x4x128xf32> to vector<128x2x128xf32>
    %slice3A_55 = vector.extract_strided_slice %max3A_50 {offsets = [0, 2, 0], sizes = [128, 2, 128], strides = [1, 1, 1]} : vector<128x4x128xf32> to vector<128x2x128xf32>
    %max3A_56 = arith.maximumf %slice3A_54, %slice3A_55 : vector<128x2x128xf32>
    %slice3A_57 = vector.extract_strided_slice %min3A_53 {offsets = [0, 0, 0], sizes = [128, 2, 128], strides = [1, 1, 1]} : vector<128x4x128xf32> to vector<128x2x128xf32>
    %slice3A_58 = vector.extract_strided_slice %min3A_53 {offsets = [0, 2, 0], sizes = [128, 2, 128], strides = [1, 1, 1]} : vector<128x4x128xf32> to vector<128x2x128xf32>
    %min3A_59 = arith.minimumf %slice3A_57, %slice3A_58 : vector<128x2x128xf32>
    %slice3A_60 = vector.extract_strided_slice %max3A_56 {offsets = [0, 0, 0], sizes = [128, 1, 128], strides = [1, 1, 1]} : vector<128x2x128xf32> to vector<128x1x128xf32>
    %slice3A_61 = vector.extract_strided_slice %max3A_56 {offsets = [0, 1, 0], sizes = [128, 1, 128], strides = [1, 1, 1]} : vector<128x2x128xf32> to vector<128x1x128xf32>
    %max3A_62 = arith.maximumf %slice3A_60, %slice3A_61 : vector<128x1x128xf32>
    %slice3A_63 = vector.extract_strided_slice %min3A_59 {offsets = [0, 0, 0], sizes = [128, 1, 128], strides = [1, 1, 1]} : vector<128x2x128xf32> to vector<128x1x128xf32>
    %slice3A_64 = vector.extract_strided_slice %min3A_59 {offsets = [0, 1, 0], sizes = [128, 1, 128], strides = [1, 1, 1]} : vector<128x2x128xf32> to vector<128x1x128xf32>
    %min3A_65 = arith.minimumf %slice3A_63, %slice3A_64 : vector<128x1x128xf32>
    %squeeze3A = vector.shape_cast %max3A_62 : vector<128x1x128xf32> to vector<128x128xf32>
    %squeeze3A_66 = vector.shape_cast %min3A_65 : vector<128x1x128xf32> to vector<128x128xf32>
    %slice3A_67 = vector.extract_strided_slice %squeeze3A {offsets = [0, 0], sizes = [128, 64], strides = [1, 1]} : vector<128x128xf32> to vector<128x64xf32>
    %slice3A_68 = vector.extract_strided_slice %squeeze3A {offsets = [0, 64], sizes = [128, 64], strides = [1, 1]} : vector<128x128xf32> to vector<128x64xf32>
    %max3A_69 = arith.maximumf %slice3A_67, %slice3A_68 : vector<128x64xf32>
    %slice3A_70 = vector.extract_strided_slice %squeeze3A_66 {offsets = [0, 0], sizes = [128, 64], strides = [1, 1]} : vector<128x128xf32> to vector<128x64xf32>
    %slice3A_71 = vector.extract_strided_slice %squeeze3A_66 {offsets = [0, 64], sizes = [128, 64], strides = [1, 1]} : vector<128x128xf32> to vector<128x64xf32>
    %min3A_72 = arith.minimumf %slice3A_70, %slice3A_71 : vector<128x64xf32>
    %slice3A_73 = vector.extract_strided_slice %max3A_69 {offsets = [0, 0], sizes = [128, 32], strides = [1, 1]} : vector<128x64xf32> to vector<128x32xf32>
    %slice3A_74 = vector.extract_strided_slice %max3A_69 {offsets = [0, 32], sizes = [128, 32], strides = [1, 1]} : vector<128x64xf32> to vector<128x32xf32>
    %max3A_75 = arith.maximumf %slice3A_73, %slice3A_74 : vector<128x32xf32>
    %slice3A_76 = vector.extract_strided_slice %min3A_72 {offsets = [0, 0], sizes = [128, 32], strides = [1, 1]} : vector<128x64xf32> to vector<128x32xf32>
    %slice3A_77 = vector.extract_strided_slice %min3A_72 {offsets = [0, 32], sizes = [128, 32], strides = [1, 1]} : vector<128x64xf32> to vector<128x32xf32>
    %min3A_78 = arith.minimumf %slice3A_76, %slice3A_77 : vector<128x32xf32>
    %slice3A_79 = vector.extract_strided_slice %max3A_75 {offsets = [0, 0], sizes = [128, 16], strides = [1, 1]} : vector<128x32xf32> to vector<128x16xf32>
    %slice3A_80 = vector.extract_strided_slice %max3A_75 {offsets = [0, 16], sizes = [128, 16], strides = [1, 1]} : vector<128x32xf32> to vector<128x16xf32>
    %max3A_81 = arith.maximumf %slice3A_79, %slice3A_80 : vector<128x16xf32>
    %slice3A_82 = vector.extract_strided_slice %min3A_78 {offsets = [0, 0], sizes = [128, 16], strides = [1, 1]} : vector<128x32xf32> to vector<128x16xf32>
    %slice3A_83 = vector.extract_strided_slice %min3A_78 {offsets = [0, 16], sizes = [128, 16], strides = [1, 1]} : vector<128x32xf32> to vector<128x16xf32>
    %min3A_84 = arith.minimumf %slice3A_82, %slice3A_83 : vector<128x16xf32>
    %get3A_85 = arith.constant 0 : index
    %get3A_86 = arith.constant 0 : index
    %get3A_87 = vector.load %arg15[%get3A_85, %get3A_86] : memref<128x32xf32, #tpu.memory_space<vmem>>, vector<128x32xf32>
    %eq3A_88 = arith.constant 0 : i32
    %eq3A_89 = arith.cmpi eq, %arg2, %eq3A_88 : i32
    %slice3A_90 = vector.extract_strided_slice %get3A_87 {offsets = [0, 0], sizes = [128, 16], strides = [1, 1]} : vector<128x32xf32> to vector<128x16xf32>
    %max3A_91 = arith.maximumf %slice3A_90, %max3A_81 : vector<128x16xf32>
    %select_n3A_92 = arith.select %eq3A_89, %max3A_81, %max3A_91 : vector<128x16xf32>
    %eq3A_93 = arith.constant 0 : i32
    %eq3A_94 = arith.cmpi eq, %arg2, %eq3A_93 : i32
    %slice3A_95 = vector.extract_strided_slice %get3A_87 {offsets = [0, 16], sizes = [128, 16], strides = [1, 1]} : vector<128x32xf32> to vector<128x16xf32>
    %min3A_96 = arith.minimumf %slice3A_95, %min3A_84 : vector<128x16xf32>
    %select_n3A_97 = arith.select %eq3A_94, %min3A_84, %min3A_96 : vector<128x16xf32>
    %concatenate3A = tpu.concatenate %select_n3A_92, %select_n3A_97 in 1 : vector<128x16xf32>, vector<128x16xf32> -> vector<128x32xf32>
    %swap3A = arith.constant 0 : index
    %swap3A_98 = arith.constant 0 : index
    %swap3A_99 = vector.load %arg15[%swap3A, %swap3A_98] : memref<128x32xf32, #tpu.memory_space<vmem>>, vector<128x32xf32>
    tpu.vector_store %arg15[%swap3A, %swap3A_98], %concatenate3A {strides = array<i32>} : memref<128x32xf32, #tpu.memory_space<vmem>>, vector<128x32xf32>,
    %eq3A_100 = arith.constant 3 : i32
    %eq3A_101 = arith.cmpi eq, %arg2, %eq3A_100 : i32
    %convert_element_type3A = arith.extui %eq3A_101 : i1 to i32
    %cond3A = arith.constant 0 : i32
    %cond3A_102 = arith.cmpi ne, %convert_element_type3A, %cond3A : i32
    scf.if %cond3A_102 {
      %mul3A_111 = arith.constant 128 : i32
      %mul3A_112 = arith.muli %arg1, %mul3A_111 : i32
      %get3A_113 = arith.constant 0 : index
      %get3A_114 = arith.index_cast %mul3A_112 : i32 to index
      %get3A_115 = arith.constant 0 : index
      %get3A_116 = vector.load %arg4[%get3A_113, %get3A_114, %get3A_115] : memref<1x512x16xf32, #tpu.memory_space<vmem>>, vector<1x128x16xf32>
      %get3A_117 = vector.shape_cast %get3A_116 : vector<1x128x16xf32> to vector<128x16xf32>
      %get3A_118 = arith.constant 0 : index
      %get3A_119 = arith.constant 0 : index
      %get3A_120 = vector.load %arg15[%get3A_118, %get3A_119] : memref<128x32xf32, #tpu.memory_space<vmem>>, vector<128x32xf32>
      %concatenate3A_121 = tpu.concatenate %get3A_117, %get3A_120 in 1 : vector<128x16xf32>, vector<128x32xf32> -> vector<128x48xf32>
      %get3A_122 = arith.constant 0 : index
      %get3A_123 = arith.constant 0 : index
      %get3A_124 = vector.load %arg9[%get3A_122, %get3A_123] : memref<48x64xf32, #tpu.memory_space<vmem>>, vector<48x64xf32>
      %get3A_125 = arith.constant 0 : index
      %get3A_126 = arith.constant 0 : index
      %get3A_127 = vector.load %arg10[%get3A_125, %get3A_126] : memref<1x64xf32, #tpu.memory_space<vmem>>, vector<1x64xf32>
      %get3A_128 = arith.constant 0 : index
      %get3A_129 = arith.constant 0 : index
      %get3A_130 = vector.load %arg11[%get3A_128, %get3A_129] : memref<64x17xf32, #tpu.memory_space<vmem>>, vector<64x17xf32>
      %get3A_131 = arith.constant 0 : index
      %get3A_132 = arith.constant 0 : index
      %get3A_133 = vector.load %arg12[%get3A_131, %get3A_132] : memref<1x17xf32, #tpu.memory_space<vmem>>, vector<1x17xf32>
      %dot_general3A = arith.constant dense<0.000000e+00> : vector<128x64xf32>
      %dot_general3A_134 = tpu.matmul %concatenate3A_121, %get3A_124, %dot_general3A {dimension_numbers = #tpu.dot_dimension_numbers<[1], [0], [0], [1], [0, 0, 1, 1], [], []>, transpose_lhs_hint = false} : vector<128x48xf32>, vector<48x64xf32>, vector<128x64xf32> -> vector<128x64xf32>
      %add3A_135 = vector.broadcast %get3A_127 : vector<1x64xf32> to vector<128x64xf32>
      %add3A_136 = arith.addf %dot_general3A_134, %add3A_135 : vector<128x64xf32>
      %max3A_137 = arith.constant 0.000000e+00 : f32
      %max3A_138 = vector.broadcast %max3A_137 : f32 to vector<128x64xf32>
      %max3A_139 = arith.maximumf %add3A_136, %max3A_138 : vector<128x64xf32>
      %dot_general3A_140 = arith.constant dense<0.000000e+00> : vector<128x17xf32>
      %dot_general3A_141 = tpu.matmul %max3A_139, %get3A_130, %dot_general3A_140 {dimension_numbers = #tpu.dot_dimension_numbers<[1], [0], [0], [1], [0, 0, 1, 1], [], []>, transpose_lhs_hint = false} : vector<128x64xf32>, vector<64x17xf32>, vector<128x17xf32> -> vector<128x17xf32>
      %add3A_142 = vector.broadcast %get3A_133 : vector<1x17xf32> to vector<128x17xf32>
      %add3A_143 = arith.addf %dot_general3A_141, %add3A_142 : vector<128x17xf32>
      %slice3A_144 = vector.extract_strided_slice %add3A_143 {offsets = [0, 0], sizes = [128, 16], strides = [1, 1]} : vector<128x17xf32> to vector<128x16xf32>
      %mul3A_145 = arith.constant 5.000000e-01 : f32
      %mul3A_146 = vector.broadcast %mul3A_145 : f32 to vector<128x16xf32>
      %mul3A_147 = arith.mulf %mul3A_146, %slice3A_144 : vector<128x16xf32>
      %tanh3A = math.tanh %mul3A_147 : vector<128x16xf32>
      %mul3A_148 = arith.constant 5.000000e-01 : f32
      %mul3A_149 = vector.broadcast %mul3A_148 : f32 to vector<128x16xf32>
      %mul3A_150 = arith.mulf %mul3A_149, %tanh3A : vector<128x16xf32>
      %add3A_151 = arith.constant 5.000000e-01 : f32
      %add3A_152 = vector.broadcast %add3A_151 : f32 to vector<128x16xf32>
      %add3A_153 = arith.addf %mul3A_150, %add3A_152 : vector<128x16xf32>
      %slice3A_154 = vector.extract_strided_slice %add3A_143 {offsets = [0, 16], sizes = [128, 1], strides = [1, 1]} : vector<128x17xf32> to vector<128x1xf32>
      %mul3A_155 = arith.constant 5.000000e-01 : f32
      %mul3A_156 = vector.broadcast %mul3A_155 : f32 to vector<128x1xf32>
      %mul3A_157 = arith.mulf %mul3A_156, %slice3A_154 : vector<128x1xf32>
      %tanh3A_158 = math.tanh %mul3A_157 : vector<128x1xf32>
      %mul3A_159 = arith.constant 5.000000e-01 : f32
      %mul3A_160 = vector.broadcast %mul3A_159 : f32 to vector<128x1xf32>
      %mul3A_161 = arith.mulf %mul3A_160, %tanh3A_158 : vector<128x1xf32>
      %add3A_162 = arith.constant 5.000000e-01 : f32
      %add3A_163 = vector.broadcast %add3A_162 : f32 to vector<128x1xf32>
      %add3A_164 = arith.addf %mul3A_161, %add3A_163 : vector<128x1xf32>
      %mul3A_165 = vector.broadcast %add3A_164 : vector<128x1xf32> to vector<128x16xf32>
      %mul3A_166 = arith.mulf %add3A_153, %mul3A_165 : vector<128x16xf32>
      %swap3A_167 = arith.constant 0 : index
      %swap3A_168 = arith.constant 0 : index
      %swap3A_169 = arith.constant 0 : index
      %swap3A_170 = vector.load %arg14[%swap3A_167, %swap3A_168, %swap3A_169] : memref<1x128x16xf32, #tpu.memory_space<vmem>>, vector<1x128x16xf32>
      %swap3A_171 = vector.shape_cast %swap3A_170 : vector<1x128x16xf32> to vector<128x16xf32>
      %swap3A_172 = vector.shape_cast %mul3A_166 : vector<128x16xf32> to vector<1x128x16xf32>
      tpu.vector_store %arg14[%swap3A_167, %swap3A_168, %swap3A_169], %swap3A_172 {strides = array<i32>} : memref<1x128x16xf32, #tpu.memory_space<vmem>>, vector<1x128x16xf32>,
    } else {
    }
    %eq3A_103 = arith.constant 0 : i32
    %eq3A_104 = arith.cmpi eq, %arg1, %eq3A_103 : i32
    %eq3A_105 = arith.constant 0 : i32
    %eq3A_106 = arith.cmpi eq, %arg2, %eq3A_105 : i32
    %and3A_107 = arith.andi %eq3A_104, %eq3A_106 : i1
    %convert_element_type3A_108 = arith.extui %and3A_107 : i1 to i32
    %cond3A_109 = arith.constant 0 : i32
    %cond3A_110 = arith.cmpi ne, %convert_element_type3A_108, %cond3A_109 : i32
    scf.if %cond3A_110 {
      %get3A_111 = arith.constant 0 : index
      %get3A_112 = arith.constant 0 : index
      %get3A_113 = arith.constant 0 : index
      %get3A_114 = vector.load %arg4[%get3A_111, %get3A_112, %get3A_113] : memref<1x512x16xf32, #tpu.memory_space<vmem>>, vector<1x512x16xf32>
      %get3A_115 = vector.shape_cast %get3A_114 : vector<1x512x16xf32> to vector<512x16xf32>
      %reduce_max3A = arith.constant dense<0xFF800000> : vector<16xf32>
      %reduce_max3A_116 = vector.multi_reduction <maximumf>, %get3A_115, %reduce_max3A [0] : vector<512x16xf32> to vector<16xf32>
      %reduce_min3A = arith.constant dense<0x7F800000> : vector<16xf32>
      %reduce_min3A_117 = vector.multi_reduction <minimumf>, %get3A_115, %reduce_min3A [0] : vector<512x16xf32> to vector<16xf32>
      %concatenate3A_118 = tpu.concatenate %reduce_max3A_116, %reduce_min3A_117 in 0 : vector<16xf32>, vector<16xf32> -> vector<32xf32>
      %broadcast_in_dim3A_119 = vector.shape_cast %concatenate3A_118 : vector<32xf32> to vector<1x32xf32>
      %get3A_120 = arith.constant 0 : index
      %get3A_121 = arith.constant 0 : index
      %get3A_122 = vector.load %arg5[%get3A_120, %get3A_121] : memref<32x64xf32, #tpu.memory_space<vmem>>, vector<32x64xf32>
      %get3A_123 = arith.constant 0 : index
      %get3A_124 = arith.constant 0 : index
      %get3A_125 = vector.load %arg6[%get3A_123, %get3A_124] : memref<1x64xf32, #tpu.memory_space<vmem>>, vector<1x64xf32>
      %get3A_126 = arith.constant 0 : index
      %get3A_127 = arith.constant 0 : index
      %get3A_128 = vector.load %arg7[%get3A_126, %get3A_127] : memref<64x17xf32, #tpu.memory_space<vmem>>, vector<64x17xf32>
      %get3A_129 = arith.constant 0 : index
      %get3A_130 = arith.constant 0 : index
      %get3A_131 = vector.load %arg8[%get3A_129, %get3A_130] : memref<1x17xf32, #tpu.memory_space<vmem>>, vector<1x17xf32>
      %dot_general3A = arith.constant dense<0.000000e+00> : vector<1x64xf32>
      %dot_general3A_132 = tpu.matmul %broadcast_in_dim3A_119, %get3A_122, %dot_general3A {dimension_numbers = #tpu.dot_dimension_numbers<[1], [0], [0], [1], [0, 0, 1, 1], [], []>, transpose_lhs_hint = false} : vector<1x32xf32>, vector<32x64xf32>, vector<1x64xf32> -> vector<1x64xf32>
      %add3A_133 = arith.addf %dot_general3A_132, %get3A_125 : vector<1x64xf32>
      %max3A_134 = arith.constant 0.000000e+00 : f32
      %max3A_135 = vector.broadcast %max3A_134 : f32 to vector<1x64xf32>
      %max3A_136 = arith.maximumf %add3A_133, %max3A_135 : vector<1x64xf32>
      %dot_general3A_137 = arith.constant dense<0.000000e+00> : vector<1x17xf32>
      %dot_general3A_138 = tpu.matmul %max3A_136, %get3A_128, %dot_general3A_137 {dimension_numbers = #tpu.dot_dimension_numbers<[1], [0], [0], [1], [0, 0, 1, 1], [], []>, transpose_lhs_hint = false} : vector<1x64xf32>, vector<64x17xf32>, vector<1x17xf32> -> vector<1x17xf32>
      %add3A_139 = arith.addf %dot_general3A_138, %get3A_131 : vector<1x17xf32>
      %slice3A_140 = vector.extract_strided_slice %add3A_139 {offsets = [0, 0], sizes = [1, 16], strides = [1, 1]} : vector<1x17xf32> to vector<1x16xf32>
      %mul3A_141 = arith.constant 5.000000e-01 : f32
      %mul3A_142 = vector.broadcast %mul3A_141 : f32 to vector<1x16xf32>
      %mul3A_143 = arith.mulf %mul3A_142, %slice3A_140 : vector<1x16xf32>
      %tanh3A = math.tanh %mul3A_143 : vector<1x16xf32>
      %mul3A_144 = arith.constant 5.000000e-01 : f32
      %mul3A_145 = vector.broadcast %mul3A_144 : f32 to vector<1x16xf32>
      %mul3A_146 = arith.mulf %mul3A_145, %tanh3A : vector<1x16xf32>
      %add3A_147 = arith.constant 5.000000e-01 : f32
      %add3A_148 = vector.broadcast %add3A_147 : f32 to vector<1x16xf32>
      %add3A_149 = arith.addf %mul3A_146, %add3A_148 : vector<1x16xf32>
      %slice3A_150 = vector.extract_strided_slice %add3A_139 {offsets = [0, 16], sizes = [1, 1], strides = [1, 1]} : vector<1x17xf32> to vector<1x1xf32>
      %mul3A_151 = arith.constant 5.000000e-01 : f32
      %mul3A_152 = vector.broadcast %mul3A_151 : f32 to vector<1x1xf32>
      %mul3A_153 = arith.mulf %mul3A_152, %slice3A_150 : vector<1x1xf32>
      %tanh3A_154 = math.tanh %mul3A_153 : vector<1x1xf32>
      %mul3A_155 = arith.constant 5.000000e-01 : f32
      %mul3A_156 = vector.broadcast %mul3A_155 : f32 to vector<1x1xf32>
      %mul3A_157 = arith.mulf %mul3A_156, %tanh3A_154 : vector<1x1xf32>
      %add3A_158 = arith.constant 5.000000e-01 : f32
      %add3A_159 = vector.broadcast %add3A_158 : f32 to vector<1x1xf32>
      %add3A_160 = arith.addf %mul3A_157, %add3A_159 : vector<1x1xf32>
      %mul3A_161 = vector.broadcast %add3A_160 : vector<1x1xf32> to vector<1x16xf32>
      %mul3A_162 = arith.mulf %add3A_149, %mul3A_161 : vector<1x16xf32>
      %swap3A_163 = arith.index_cast %arg0 : i32 to index
      %swap3A_164 = arith.constant 0 : index
      %swap3A_165 = vector.load %arg13[%swap3A_163, %swap3A_164] : memref<4x16xf32, #tpu.memory_space<vmem>>, vector<1x16xf32>
      tpu.vector_store %arg13[%swap3A_163, %swap3A_164], %mul3A_162 {strides = array<i32>} : memref<4x16xf32, #tpu.memory_space<vmem>>, vector<1x16xf32>,
    } else {
    }
    return
  }
  func.func @transform_0(%arg0: i32, %arg1: i32, %arg2: i32) -> (i32, i32, i32, i32) {
    %c0_i32 = arith.constant 0 : i32
    %c0_i32_0 = arith.constant 0 : i32
    return %arg0, %arg1, %arg2, %c0_i32 : i32, i32, i32, i32
  }
  func.func @transform_1(%arg0: i32, %arg1: i32, %arg2: i32) -> (i32, i32, i32) {
    %c0_i32 = arith.constant 0 : i32
    %c0_i32_0 = arith.constant 0 : i32
    %c0_i32_1 = arith.constant 0 : i32
    return %arg0, %c0_i32, %c0_i32_0 : i32, i32, i32
  }
  func.func @transform_2(%arg0: i32, %arg1: i32, %arg2: i32) -> (i32, i32) {
    %c0_i32 = arith.constant 0 : i32
    %c0_i32_0 = arith.constant 0 : i32
    %c0_i32_1 = arith.constant 0 : i32
    return %c0_i32, %c0_i32_0 : i32, i32
  }
  func.func @transform_3(%arg0: i32, %arg1: i32, %arg2: i32) -> (i32, i32) {
    %c0_i32 = arith.constant 0 : i32
    %c0_i32_0 = arith.constant 0 : i32
    %c0_i32_1 = arith.constant 0 : i32
    return %c0_i32, %c0_i32_0 : i32, i32
  }
  func.func @transform_4(%arg0: i32, %arg1: i32, %arg2: i32) -> (i32, i32) {
    %c0_i32 = arith.constant 0 : i32
    %c0_i32_0 = arith.constant 0 : i32
    %c0_i32_1 = arith.constant 0 : i32
    return %c0_i32, %c0_i32_0 : i32, i32
  }
  func.func @transform_5(%arg0: i32, %arg1: i32, %arg2: i32) -> (i32, i32) {
    %c0_i32 = arith.constant 0 : i32
    %c0_i32_0 = arith.constant 0 : i32
    %c0_i32_1 = arith.constant 0 : i32
    return %c0_i32, %c0_i32_0 : i32, i32
  }
  func.func @transform_6(%arg0: i32, %arg1: i32, %arg2: i32) -> (i32, i32) {
    %c0_i32 = arith.constant 0 : i32
    %c0_i32_0 = arith.constant 0 : i32
    %c0_i32_1 = arith.constant 0 : i32
    return %c0_i32, %c0_i32_0 : i32, i32
  }
  func.func @transform_7(%arg0: i32, %arg1: i32, %arg2: i32) -> (i32, i32) {
    %c0_i32 = arith.constant 0 : i32
    %c0_i32_0 = arith.constant 0 : i32
    %c0_i32_1 = arith.constant 0 : i32
    return %c0_i32, %c0_i32_0 : i32, i32
  }
  func.func @transform_8(%arg0: i32, %arg1: i32, %arg2: i32) -> (i32, i32) {
    %c0_i32 = arith.constant 0 : i32
    %c0_i32_0 = arith.constant 0 : i32
    %c0_i32_1 = arith.constant 0 : i32
    return %c0_i32, %c0_i32_0 : i32, i32
  }
  func.func @transform_9(%arg0: i32, %arg1: i32, %arg2: i32) -> (i32, i32) {
    %c0_i32 = arith.constant 0 : i32
    %c0_i32_0 = arith.constant 0 : i32
    %c0_i32_1 = arith.constant 0 : i32
    return %c0_i32, %c0_i32_0 : i32, i32
  }
  func.func @transform_10(%arg0: i32, %arg1: i32, %arg2: i32) -> (i32, i32) {
    %c0_i32 = arith.constant 0 : i32
    %c0_i32_0 = arith.constant 0 : i32
    %c0_i32_1 = arith.constant 0 : i32
    return %c0_i32, %c0_i32_0 : i32, i32
  }
  func.func @transform_11(%arg0: i32, %arg1: i32, %arg2: i32) -> (i32, i32, i32) {
    %c0_i32 = arith.constant 0 : i32
    %c0_i32_0 = arith.constant 0 : i32
    return %arg0, %arg1, %c0_i32 : i32, i32, i32
  }
}

module attributes {stable_mosaic.version = 14 : i64} {
  func.func @_kernel_m(%arg0: i32, %arg1: i32, %arg2: i32, %arg3: memref<1x128x32x128xf32, #tpu.memory_space<vmem>>, %arg4: memref<1x128x32x128xf32, #tpu.memory_space<vmem>>, %arg5: memref<1x128x16xf32, #tpu.memory_space<vmem>>, %arg6: memref<1x32x128xf32, #tpu.memory_space<vmem>>, %arg7: memref<1x512x16xf32, #tpu.memory_space<vmem>>, %arg8: memref<1x64x128xf32, #tpu.memory_space<vmem>>, %arg9: memref<4x16xf32, #tpu.memory_space<vmem>>, %arg10: memref<128x1024xf32, #tpu.memory_space<vmem>>, %arg11: memref<128x1024xf32, #tpu.memory_space<vmem>>, %arg12: memref<16x1024xf32, #tpu.memory_space<vmem>>, %arg13: memref<1x1024xf32, #tpu.memory_space<vmem>>, %arg14: memref<128x1024xf32, #tpu.memory_space<vmem>>, %arg15: memref<1024x512xf32, #tpu.memory_space<vmem>>, %arg16: memref<1x512xf32, #tpu.memory_space<vmem>>, %arg17: memref<256x512xf32, #tpu.memory_space<vmem>>, %arg18: memref<16x512xf32, #tpu.memory_space<vmem>>, %arg19: memref<1x512xf32, #tpu.memory_space<vmem>>, %arg20: memref<128x512xf32, #tpu.memory_space<vmem>>, %arg21: memref<512x256xf32, #tpu.memory_space<vmem>>, %arg22: memref<1x256xf32, #tpu.memory_space<vmem>>, %arg23: memref<64x64xf32, #tpu.memory_space<vmem>>, %arg24: memref<1x64xf32, #tpu.memory_space<vmem>>, %arg25: memref<64x17xf32, #tpu.memory_space<vmem>>, %arg26: memref<1x17xf32, #tpu.memory_space<vmem>>, %arg27: memref<48x64xf32, #tpu.memory_space<vmem>>, %arg28: memref<1x64xf32, #tpu.memory_space<vmem>>, %arg29: memref<64x17xf32, #tpu.memory_space<vmem>>, %arg30: memref<1x17xf32, #tpu.memory_space<vmem>>, %arg31: memref<1x128x32x128xf32, #tpu.memory_space<vmem>>, %arg32: memref<1x128x16xf32, #tpu.memory_space<vmem>>, %arg33: memref<4x16xf32, #tpu.memory_space<vmem>>, %arg34: memref<128x32xf32, #tpu.memory_space<vmem>>) attributes {dimension_semantics = [#tpu.dimension_semantics<arbitrary>, #tpu.dimension_semantics<arbitrary>, #tpu.dimension_semantics<arbitrary>], iteration_bounds = array<i64: 4, 4, 2>, scalar_prefetch = 0 : i64, scratch_operands = 1 : i64, tpu.core_type = #tpu.core_type<tc>, window_params = [{transform_indices = @transform_0, window_bounds = array<i64: 1, 128, 32, 128>}, {transform_indices = @transform_1, window_bounds = array<i64: 1, 128, 32, 128>}, {transform_indices = @transform_2, window_bounds = array<i64: 1, 128, 16>}, {transform_indices = @transform_3, window_bounds = array<i64: 1, 32, 128>}, {transform_indices = @transform_4, window_bounds = array<i64: 1, 512, 16>}, {transform_indices = @transform_5, window_bounds = array<i64: 1, 64, 128>}, {pipeline_mode = #tpu.pipeline_mode<synchronous>, transform_indices = @transform_6, window_bounds = array<i64: 4, 16>}, {pipeline_mode = #tpu.pipeline_mode<synchronous>, transform_indices = @transform_7, window_bounds = array<i64: 128, 1024>}, {pipeline_mode = #tpu.pipeline_mode<synchronous>, transform_indices = @transform_8, window_bounds = array<i64: 128, 1024>}, {pipeline_mode = #tpu.pipeline_mode<synchronous>, transform_indices = @transform_9, window_bounds = array<i64: 16, 1024>}, {pipeline_mode = #tpu.pipeline_mode<synchronous>, transform_indices = @transform_10, window_bounds = array<i64: 1, 1024>}, {pipeline_mode = #tpu.pipeline_mode<synchronous>, transform_indices = @transform_11, window_bounds = array<i64: 128, 1024>}, {pipeline_mode = #tpu.pipeline_mode<synchronous>, transform_indices = @transform_12, window_bounds = array<i64: 1024, 512>}, {pipeline_mode = #tpu.pipeline_mode<synchronous>, transform_indices = @transform_13, window_bounds = array<i64: 1, 512>}, {pipeline_mode = #tpu.pipeline_mode<synchronous>, transform_indices = @transform_14, window_bounds = array<i64: 256, 512>}, {pipeline_mode = #tpu.pipeline_mode<synchronous>, transform_indices = @transform_15, window_bounds = array<i64: 16, 512>}, {pipeline_mode = #tpu.pipeline_mode<synchronous>, transform_indices = @transform_16, window_bounds = array<i64: 1, 512>}, {pipeline_mode = #tpu.pipeline_mode<synchronous>, transform_indices = @transform_17, window_bounds = array<i64: 128, 512>}, {pipeline_mode = #tpu.pipeline_mode<synchronous>, transform_indices = @transform_18, window_bounds = array<i64: 512, 256>}, {pipeline_mode = #tpu.pipeline_mode<synchronous>, transform_indices = @transform_19, window_bounds = array<i64: 1, 256>}, {pipeline_mode = #tpu.pipeline_mode<synchronous>, transform_indices = @transform_20, window_bounds = array<i64: 64, 64>}, {pipeline_mode = #tpu.pipeline_mode<synchronous>, transform_indices = @transform_21, window_bounds = array<i64: 1, 64>}, {pipeline_mode = #tpu.pipeline_mode<synchronous>, transform_indices = @transform_22, window_bounds = array<i64: 64, 17>}, {pipeline_mode = #tpu.pipeline_mode<synchronous>, transform_indices = @transform_23, window_bounds = array<i64: 1, 17>}, {pipeline_mode = #tpu.pipeline_mode<synchronous>, transform_indices = @transform_24, window_bounds = array<i64: 48, 64>}, {pipeline_mode = #tpu.pipeline_mode<synchronous>, transform_indices = @transform_25, window_bounds = array<i64: 1, 64>}, {pipeline_mode = #tpu.pipeline_mode<synchronous>, transform_indices = @transform_26, window_bounds = array<i64: 64, 17>}, {pipeline_mode = #tpu.pipeline_mode<synchronous>, transform_indices = @transform_27, window_bounds = array<i64: 1, 17>}, {transform_indices = @transform_28, window_bounds = array<i64: 1, 128, 32, 128>}, {transform_indices = @transform_29, window_bounds = array<i64: 1, 128, 16>}, {pipeline_mode = #tpu.pipeline_mode<synchronous>, transform_indices = @transform_30, window_bounds = array<i64: 4, 16>}]} {
    %get3A = arith.constant 0 : index
    %get3A_0 = arith.constant 0 : index
    %get3A_1 = arith.constant 0 : index
    %get3A_2 = arith.constant 0 : index
    %get3A_3 = vector.load %arg3[%get3A, %get3A_0, %get3A_1, %get3A_2] : memref<1x128x32x128xf32, #tpu.memory_space<vmem>>, vector<1x128x32x128xf32>
    %get3A_4 = vector.shape_cast %get3A_3 : vector<1x128x32x128xf32> to vector<128x32x128xf32>
    %reshape3A = vector.shape_cast %get3A_4 : vector<128x32x128xf32> to vector<4096x128xf32>
    %get3A_5 = arith.constant 0 : index
    %get3A_6 = arith.constant 0 : index
    %get3A_7 = arith.constant 0 : index
    %get3A_8 = arith.constant 0 : index
    %get3A_9 = vector.load %arg4[%get3A_5, %get3A_6, %get3A_7, %get3A_8] : memref<1x128x32x128xf32, #tpu.memory_space<vmem>>, vector<1x128x32x128xf32>
    %get3A_10 = vector.shape_cast %get3A_9 : vector<1x128x32x128xf32> to vector<128x32x128xf32>
    %reshape3A_11 = vector.shape_cast %get3A_10 : vector<128x32x128xf32> to vector<4096x128xf32>
    %get3A_12 = arith.constant 0 : index
    %get3A_13 = arith.constant 0 : index
    %get3A_14 = arith.constant 0 : index
    %get3A_15 = vector.load %arg5[%get3A_12, %get3A_13, %get3A_14] : memref<1x128x16xf32, #tpu.memory_space<vmem>>, vector<1x128x16xf32>
    %get3A_16 = vector.shape_cast %get3A_15 : vector<1x128x16xf32> to vector<128x16xf32>
    %get3A_17 = arith.constant 0 : index
    %get3A_18 = arith.constant 0 : index
    %get3A_19 = arith.constant 0 : index
    %get3A_20 = vector.load %arg6[%get3A_17, %get3A_18, %get3A_19] : memref<1x32x128xf32, #tpu.memory_space<vmem>>, vector<1x32x128xf32>
    %get3A_21 = vector.shape_cast %get3A_20 : vector<1x32x128xf32> to vector<32x128xf32>
    %get3A_22 = arith.constant 0 : index
    %get3A_23 = arith.constant 0 : index
    %get3A_24 = vector.load %arg10[%get3A_22, %get3A_23] : memref<128x1024xf32, #tpu.memory_space<vmem>>, vector<128x1024xf32>
    %dot_general3A = arith.constant dense<0.000000e+00> : vector<4096x1024xf32>
    %dot_general3A_25 = tpu.matmul %reshape3A, %get3A_24, %dot_general3A {dimension_numbers = #tpu.dot_dimension_numbers<[1], [0], [0], [1], [0, 0, 1, 1], [], []>, transpose_lhs_hint = false} : vector<4096x128xf32>, vector<128x1024xf32>, vector<4096x1024xf32> -> vector<4096x1024xf32>
    %get3A_26 = arith.constant 0 : index
    %get3A_27 = arith.constant 0 : index
    %get3A_28 = vector.load %arg11[%get3A_26, %get3A_27] : memref<128x1024xf32, #tpu.memory_space<vmem>>, vector<128x1024xf32>
    %dot_general3A_29 = arith.constant dense<0.000000e+00> : vector<4096x1024xf32>
    %dot_general3A_30 = tpu.matmul %reshape3A_11, %get3A_28, %dot_general3A_29 {dimension_numbers = #tpu.dot_dimension_numbers<[1], [0], [0], [1], [0, 0, 1, 1], [], []>, transpose_lhs_hint = false} : vector<4096x128xf32>, vector<128x1024xf32>, vector<4096x1024xf32> -> vector<4096x1024xf32>
    %add3A = arith.addf %dot_general3A_25, %dot_general3A_30 : vector<4096x1024xf32>
    %get3A_31 = arith.constant 0 : index
    %get3A_32 = arith.constant 0 : index
    %get3A_33 = vector.load %arg12[%get3A_31, %get3A_32] : memref<16x1024xf32, #tpu.memory_space<vmem>>, vector<16x1024xf32>
    %dot_general3A_34 = arith.constant dense<0.000000e+00> : vector<128x1024xf32>
    %dot_general3A_35 = tpu.matmul %get3A_16, %get3A_33, %dot_general3A_34 {dimension_numbers = #tpu.dot_dimension_numbers<[1], [0], [0], [1], [0, 0, 1, 1], [], []>, transpose_lhs_hint = false} : vector<128x16xf32>, vector<16x1024xf32>, vector<128x1024xf32> -> vector<128x1024xf32>
    %get3A_36 = arith.constant 0 : index
    %get3A_37 = arith.constant 0 : index
    %get3A_38 = vector.load %arg13[%get3A_36, %get3A_37] : memref<1x1024xf32, #tpu.memory_space<vmem>>, vector<1x1024xf32>
    %add3A_39 = vector.broadcast %get3A_38 : vector<1x1024xf32> to vector<128x1024xf32>
    %add3A_40 = arith.addf %dot_general3A_35, %add3A_39 : vector<128x1024xf32>
    %get3A_41 = arith.constant 0 : index
    %get3A_42 = arith.constant 0 : index
    %get3A_43 = vector.load %arg14[%get3A_41, %get3A_42] : memref<128x1024xf32, #tpu.memory_space<vmem>>, vector<128x1024xf32>
    %dot_general3A_44 = arith.constant dense<0.000000e+00> : vector<32x1024xf32>
    %dot_general3A_45 = tpu.matmul %get3A_21, %get3A_43, %dot_general3A_44 {dimension_numbers = #tpu.dot_dimension_numbers<[1], [0], [0], [1], [0, 0, 1, 1], [], []>, transpose_lhs_hint = false} : vector<32x128xf32>, vector<128x1024xf32>, vector<32x1024xf32> -> vector<32x1024xf32>
    %reshape3A_46 = vector.shape_cast %add3A : vector<4096x1024xf32> to vector<128x32x1024xf32>
    %broadcast_in_dim3A = vector.shape_cast %add3A_40 : vector<128x1024xf32> to vector<128x1x1024xf32>
    %add3A_47 = vector.broadcast %broadcast_in_dim3A : vector<128x1x1024xf32> to vector<128x32x1024xf32>
    %add3A_48 = arith.addf %reshape3A_46, %add3A_47 : vector<128x32x1024xf32>
    %broadcast_in_dim3A_49 = vector.shape_cast %dot_general3A_45 : vector<32x1024xf32> to vector<1x32x1024xf32>
    %add3A_50 = vector.broadcast %broadcast_in_dim3A_49 : vector<1x32x1024xf32> to vector<128x32x1024xf32>
    %add3A_51 = arith.addf %add3A_48, %add3A_50 : vector<128x32x1024xf32>
    %max3A = arith.constant 0.000000e+00 : f32
    %max3A_52 = vector.broadcast %max3A : f32 to vector<128x32x1024xf32>
    %max3A_53 = arith.maximumf %add3A_51, %max3A_52 : vector<128x32x1024xf32>
    %reshape3A_54 = vector.shape_cast %max3A_53 : vector<128x32x1024xf32> to vector<4096x1024xf32>
    %get3A_55 = arith.constant 0 : index
    %get3A_56 = arith.constant 0 : index
    %get3A_57 = vector.load %arg15[%get3A_55, %get3A_56] : memref<1024x512xf32, #tpu.memory_space<vmem>>, vector<1024x512xf32>
    %dot_general3A_58 = arith.constant dense<0.000000e+00> : vector<4096x512xf32>
    %dot_general3A_59 = tpu.matmul %reshape3A_54, %get3A_57, %dot_general3A_58 {dimension_numbers = #tpu.dot_dimension_numbers<[1], [0], [0], [1], [0, 0, 1, 1], [], []>, transpose_lhs_hint = false} : vector<4096x1024xf32>, vector<1024x512xf32>, vector<4096x512xf32> -> vector<4096x512xf32>
    %get3A_60 = arith.constant 0 : index
    %get3A_61 = arith.constant 0 : index
    %get3A_62 = vector.load %arg16[%get3A_60, %get3A_61] : memref<1x512xf32, #tpu.memory_space<vmem>>, vector<1x512xf32>
    %add3A_63 = vector.broadcast %get3A_62 : vector<1x512xf32> to vector<4096x512xf32>
    %add3A_64 = arith.addf %dot_general3A_59, %add3A_63 : vector<4096x512xf32>
    %tanh3A = math.tanh %add3A_64 : vector<4096x512xf32>
    %slice3A = vector.extract_strided_slice %tanh3A {offsets = [0, 0], sizes = [4096, 256], strides = [1, 1]} : vector<4096x512xf32> to vector<4096x256xf32>
    %add3A_65 = arith.constant 1.000000e+00 : f32
    %add3A_66 = vector.broadcast %add3A_65 : f32 to vector<4096x256xf32>
    %add3A_67 = arith.addf %add3A_66, %slice3A : vector<4096x256xf32>
    %slice3A_68 = vector.extract_strided_slice %tanh3A {offsets = [0, 256], sizes = [4096, 256], strides = [1, 1]} : vector<4096x512xf32> to vector<4096x256xf32>
    %add3A_69 = arith.constant 1.000000e+00 : f32
    %add3A_70 = vector.broadcast %add3A_69 : f32 to vector<4096x256xf32>
    %add3A_71 = arith.addf %add3A_70, %slice3A_68 : vector<4096x256xf32>
    %mul3A = arith.mulf %add3A_67, %add3A_71 : vector<4096x256xf32>
    %reshape3A_72 = vector.shape_cast %mul3A : vector<4096x256xf32> to vector<128x32x256xf32>
    %iota3A = tpu.iota {dimensions = array<i32: 0>} : vector<128x32x256xi32>
    %mul3A_73 = arith.constant 128 : i32
    %mul3A_74 = arith.muli %arg1, %mul3A_73 : i32
    %add3A_75 = vector.broadcast %mul3A_74 : i32 to vector<128x32x256xi32>
    %add3A_76 = arith.addi %iota3A, %add3A_75 : vector<128x32x256xi32>
    %iota3A_77 = tpu.iota {dimensions = array<i32: 1>} : vector<128x32x256xi32>
    %iota3A_78 = tpu.iota {dimensions = array<i32: 2>} : vector<128x32x256xi32>
    %mul3A_79 = arith.constant 256 : i32
    %mul3A_80 = arith.muli %arg2, %mul3A_79 : i32
    %mul3A_81 = arith.constant 8 : i32
    %mul3A_82 = vector.broadcast %mul3A_81 : i32 to vector<128x32x256xi32>
    %mul3A_83 = arith.muli %iota3A_77, %mul3A_82 : vector<128x32x256xi32>
    %add3A_84 = vector.broadcast %mul3A_80 : i32 to vector<128x32x256xi32>
    %add3A_85 = arith.addi %add3A_84, %mul3A_83 : vector<128x32x256xi32>
    %jit3A = arith.constant 32 : i32
    %div3A = vector.broadcast %jit3A : i32 to vector<128x32x256xi32>
    %div3A_86 = arith.divsi %iota3A_78, %div3A : vector<128x32x256xi32>
    %sign3A = arith.constant 0 : i32
    %sign3A_87 = vector.broadcast %sign3A : i32 to vector<128x32x256xi32>
    %sign3A_88 = arith.cmpi sgt, %iota3A_78, %sign3A_87 : vector<128x32x256xi32>
    %sign3A_89 = arith.extui %sign3A_88 : vector<128x32x256xi1> to vector<128x32x256xi32>
    %sign3A_90 = arith.constant 0 : i32
    %sign3A_91 = vector.broadcast %sign3A_90 : i32 to vector<128x32x256xi32>
    %sign3A_92 = arith.cmpi slt, %iota3A_78, %sign3A_91 : vector<128x32x256xi32>
    %sign3A_93 = arith.extui %sign3A_92 : vector<128x32x256xi1> to vector<128x32x256xi32>
    %sign3A_94 = arith.subi %sign3A_89, %sign3A_93 : vector<128x32x256xi32>
    %sign3A_95 = arith.constant 0 : i32
    %sign3A_96 = arith.cmpi sgt, %jit3A, %sign3A_95 : i32
    %sign3A_97 = arith.extui %sign3A_96 : i1 to i32
    %sign3A_98 = arith.constant 0 : i32
    %sign3A_99 = arith.cmpi slt, %jit3A, %sign3A_98 : i32
    %sign3A_100 = arith.extui %sign3A_99 : i1 to i32
    %sign3A_101 = arith.subi %sign3A_97, %sign3A_100 : i32
    %ne3A = vector.broadcast %sign3A_101 : i32 to vector<128x32x256xi32>
    %ne3A_102 = arith.cmpi ne, %sign3A_94, %ne3A : vector<128x32x256xi32>
    %rem3A = vector.broadcast %jit3A : i32 to vector<128x32x256xi32>
    %rem3A_103 = arith.remsi %iota3A_78, %rem3A : vector<128x32x256xi32>
    %ne3A_104 = arith.constant 0 : i32
    %ne3A_105 = vector.broadcast %ne3A_104 : i32 to vector<128x32x256xi32>
    %ne3A_106 = arith.cmpi ne, %rem3A_103, %ne3A_105 : vector<128x32x256xi32>
    %and3A = arith.andi %ne3A_102, %ne3A_106 : vector<128x32x256xi1>
    %sub3A = arith.constant 1 : i32
    %sub3A_107 = vector.broadcast %sub3A : i32 to vector<128x32x256xi32>
    %sub3A_108 = arith.subi %div3A_86, %sub3A_107 : vector<128x32x256xi32>
    %select_n3A = arith.select %and3A, %sub3A_108, %div3A_86 : vector<128x32x256xi1>, vector<128x32x256xi32>
    %add3A_109 = arith.addi %add3A_85, %select_n3A : vector<128x32x256xi32>
    %eq3A = arith.cmpi eq, %add3A_76, %add3A_109 : vector<128x32x256xi32>
    %jit3A_110 = arith.constant 32 : i32
    %eq3A_111 = arith.constant 0 : i32
    %eq3A_112 = arith.cmpi eq, %jit3A_110, %eq3A_111 : i32
    %jit3A_113 = arith.constant 1 : i32
    %select_n3A_114 = arith.select %eq3A_112, %jit3A_113, %jit3A_110 : i32
    %rem3A_115 = vector.broadcast %select_n3A_114 : i32 to vector<128x32x256xi32>
    %rem3A_116 = arith.remsi %iota3A_78, %rem3A_115 : vector<128x32x256xi32>
    %ne3A_117 = arith.constant 0 : i32
    %ne3A_118 = vector.broadcast %ne3A_117 : i32 to vector<128x32x256xi32>
    %ne3A_119 = arith.cmpi ne, %rem3A_116, %ne3A_118 : vector<128x32x256xi32>
    %lt3A = arith.constant 0 : i32
    %lt3A_120 = vector.broadcast %lt3A : i32 to vector<128x32x256xi32>
    %lt3A_121 = arith.cmpi slt, %rem3A_116, %lt3A_120 : vector<128x32x256xi32>
    %lt3A_122 = arith.constant 0 : i32
    %lt3A_123 = arith.cmpi slt, %select_n3A_114, %lt3A_122 : i32
    %ne3A_124 = vector.broadcast %lt3A_123 : i1 to vector<128x32x256xi1>
    %ne3A_125 = vector.broadcast %ne3A_124 : vector<128x32x256xi1> to vector<128x32x256xi1>
    %ne3A_126 = arith.xori %lt3A_121, %ne3A_125 : vector<128x32x256xi1>
    %and3A_127 = arith.andi %ne3A_126, %ne3A_119 : vector<128x32x256xi1>
    %add3A_128 = vector.broadcast %select_n3A_114 : i32 to vector<128x32x256xi32>
    %add3A_129 = arith.addi %rem3A_116, %add3A_128 : vector<128x32x256xi32>
    %select_n3A_130 = arith.select %and3A_127, %add3A_129, %rem3A_116 : vector<128x32x256xi1>, vector<128x32x256xi32>
    %lt3A_131 = arith.constant 16 : i32
    %lt3A_132 = vector.broadcast %lt3A_131 : i32 to vector<128x32x256xi32>
    %lt3A_133 = arith.cmpi slt, %select_n3A_130, %lt3A_132 : vector<128x32x256xi32>
    %and3A_134 = arith.andi %eq3A, %lt3A_133 : vector<128x32x256xi1>
    %jit3A_135 = arith.constant 0.000000e+00 : f32
    %broadcast_in_dim3A_136 = vector.broadcast %jit3A_135 : f32 to vector<128x32x256xf32>
    %select_n3A_137 = arith.select %and3A_134, %broadcast_in_dim3A_136, %reshape3A_72 : vector<128x32x256xi1>, vector<128x32x256xf32>
    %jit3A_138 = arith.constant 4.000000e+00 : f32
    %broadcast_in_dim3A_139 = vector.broadcast %jit3A_138 : f32 to vector<128x32x256xf32>
    %select_n3A_140 = arith.select %and3A_134, %broadcast_in_dim3A_139, %reshape3A_72 : vector<128x32x256xi1>, vector<128x32x256xf32>
    %slice3A_141 = vector.extract_strided_slice %select_n3A_137 {offsets = [0, 0, 0], sizes = [128, 16, 256], strides = [1, 1, 1]} : vector<128x32x256xf32> to vector<128x16x256xf32>
    %slice3A_142 = vector.extract_strided_slice %select_n3A_137 {offsets = [0, 16, 0], sizes = [128, 16, 256], strides = [1, 1, 1]} : vector<128x32x256xf32> to vector<128x16x256xf32>
    %max3A_143 = arith.maximumf %slice3A_141, %slice3A_142 : vector<128x16x256xf32>
    %slice3A_144 = vector.extract_strided_slice %select_n3A_140 {offsets = [0, 0, 0], sizes = [128, 16, 256], strides = [1, 1, 1]} : vector<128x32x256xf32> to vector<128x16x256xf32>
    %slice3A_145 = vector.extract_strided_slice %select_n3A_140 {offsets = [0, 16, 0], sizes = [128, 16, 256], strides = [1, 1, 1]} : vector<128x32x256xf32> to vector<128x16x256xf32>
    %min3A = arith.minimumf %slice3A_144, %slice3A_145 : vector<128x16x256xf32>
    %slice3A_146 = vector.extract_strided_slice %max3A_143 {offsets = [0, 0, 0], sizes = [128, 8, 256], strides = [1, 1, 1]} : vector<128x16x256xf32> to vector<128x8x256xf32>
    %slice3A_147 = vector.extract_strided_slice %max3A_143 {offsets = [0, 8, 0], sizes = [128, 8, 256], strides = [1, 1, 1]} : vector<128x16x256xf32> to vector<128x8x256xf32>
    %max3A_148 = arith.maximumf %slice3A_146, %slice3A_147 : vector<128x8x256xf32>
    %slice3A_149 = vector.extract_strided_slice %min3A {offsets = [0, 0, 0], sizes = [128, 8, 256], strides = [1, 1, 1]} : vector<128x16x256xf32> to vector<128x8x256xf32>
    %slice3A_150 = vector.extract_strided_slice %min3A {offsets = [0, 8, 0], sizes = [128, 8, 256], strides = [1, 1, 1]} : vector<128x16x256xf32> to vector<128x8x256xf32>
    %min3A_151 = arith.minimumf %slice3A_149, %slice3A_150 : vector<128x8x256xf32>
    %slice3A_152 = vector.extract_strided_slice %max3A_148 {offsets = [0, 0, 0], sizes = [128, 4, 256], strides = [1, 1, 1]} : vector<128x8x256xf32> to vector<128x4x256xf32>
    %slice3A_153 = vector.extract_strided_slice %max3A_148 {offsets = [0, 4, 0], sizes = [128, 4, 256], strides = [1, 1, 1]} : vector<128x8x256xf32> to vector<128x4x256xf32>
    %max3A_154 = arith.maximumf %slice3A_152, %slice3A_153 : vector<128x4x256xf32>
    %slice3A_155 = vector.extract_strided_slice %min3A_151 {offsets = [0, 0, 0], sizes = [128, 4, 256], strides = [1, 1, 1]} : vector<128x8x256xf32> to vector<128x4x256xf32>
    %slice3A_156 = vector.extract_strided_slice %min3A_151 {offsets = [0, 4, 0], sizes = [128, 4, 256], strides = [1, 1, 1]} : vector<128x8x256xf32> to vector<128x4x256xf32>
    %min3A_157 = arith.minimumf %slice3A_155, %slice3A_156 : vector<128x4x256xf32>
    %slice3A_158 = vector.extract_strided_slice %max3A_154 {offsets = [0, 0, 0], sizes = [128, 2, 256], strides = [1, 1, 1]} : vector<128x4x256xf32> to vector<128x2x256xf32>
    %slice3A_159 = vector.extract_strided_slice %max3A_154 {offsets = [0, 2, 0], sizes = [128, 2, 256], strides = [1, 1, 1]} : vector<128x4x256xf32> to vector<128x2x256xf32>
    %max3A_160 = arith.maximumf %slice3A_158, %slice3A_159 : vector<128x2x256xf32>
    %slice3A_161 = vector.extract_strided_slice %min3A_157 {offsets = [0, 0, 0], sizes = [128, 2, 256], strides = [1, 1, 1]} : vector<128x4x256xf32> to vector<128x2x256xf32>
    %slice3A_162 = vector.extract_strided_slice %min3A_157 {offsets = [0, 2, 0], sizes = [128, 2, 256], strides = [1, 1, 1]} : vector<128x4x256xf32> to vector<128x2x256xf32>
    %min3A_163 = arith.minimumf %slice3A_161, %slice3A_162 : vector<128x2x256xf32>
    %slice3A_164 = vector.extract_strided_slice %max3A_160 {offsets = [0, 0, 0], sizes = [128, 1, 256], strides = [1, 1, 1]} : vector<128x2x256xf32> to vector<128x1x256xf32>
    %slice3A_165 = vector.extract_strided_slice %max3A_160 {offsets = [0, 1, 0], sizes = [128, 1, 256], strides = [1, 1, 1]} : vector<128x2x256xf32> to vector<128x1x256xf32>
    %max3A_166 = arith.maximumf %slice3A_164, %slice3A_165 : vector<128x1x256xf32>
    %slice3A_167 = vector.extract_strided_slice %min3A_163 {offsets = [0, 0, 0], sizes = [128, 1, 256], strides = [1, 1, 1]} : vector<128x2x256xf32> to vector<128x1x256xf32>
    %slice3A_168 = vector.extract_strided_slice %min3A_163 {offsets = [0, 1, 0], sizes = [128, 1, 256], strides = [1, 1, 1]} : vector<128x2x256xf32> to vector<128x1x256xf32>
    %min3A_169 = arith.minimumf %slice3A_167, %slice3A_168 : vector<128x1x256xf32>
    %squeeze3A = vector.shape_cast %max3A_166 : vector<128x1x256xf32> to vector<128x256xf32>
    %squeeze3A_170 = vector.shape_cast %min3A_169 : vector<128x1x256xf32> to vector<128x256xf32>
    %slice3A_171 = vector.extract_strided_slice %squeeze3A {offsets = [0, 0], sizes = [128, 128], strides = [1, 1]} : vector<128x256xf32> to vector<128x128xf32>
    %slice3A_172 = vector.extract_strided_slice %squeeze3A {offsets = [0, 128], sizes = [128, 128], strides = [1, 1]} : vector<128x256xf32> to vector<128x128xf32>
    %max3A_173 = arith.maximumf %slice3A_171, %slice3A_172 : vector<128x128xf32>
    %slice3A_174 = vector.extract_strided_slice %squeeze3A_170 {offsets = [0, 0], sizes = [128, 128], strides = [1, 1]} : vector<128x256xf32> to vector<128x128xf32>
    %slice3A_175 = vector.extract_strided_slice %squeeze3A_170 {offsets = [0, 128], sizes = [128, 128], strides = [1, 1]} : vector<128x256xf32> to vector<128x128xf32>
    %min3A_176 = arith.minimumf %slice3A_174, %slice3A_175 : vector<128x128xf32>
    %slice3A_177 = vector.extract_strided_slice %max3A_173 {offsets = [0, 0], sizes = [128, 64], strides = [1, 1]} : vector<128x128xf32> to vector<128x64xf32>
    %slice3A_178 = vector.extract_strided_slice %max3A_173 {offsets = [0, 64], sizes = [128, 64], strides = [1, 1]} : vector<128x128xf32> to vector<128x64xf32>
    %max3A_179 = arith.maximumf %slice3A_177, %slice3A_178 : vector<128x64xf32>
    %slice3A_180 = vector.extract_strided_slice %min3A_176 {offsets = [0, 0], sizes = [128, 64], strides = [1, 1]} : vector<128x128xf32> to vector<128x64xf32>
    %slice3A_181 = vector.extract_strided_slice %min3A_176 {offsets = [0, 64], sizes = [128, 64], strides = [1, 1]} : vector<128x128xf32> to vector<128x64xf32>
    %min3A_182 = arith.minimumf %slice3A_180, %slice3A_181 : vector<128x64xf32>
    %slice3A_183 = vector.extract_strided_slice %max3A_179 {offsets = [0, 0], sizes = [128, 32], strides = [1, 1]} : vector<128x64xf32> to vector<128x32xf32>
    %slice3A_184 = vector.extract_strided_slice %max3A_179 {offsets = [0, 32], sizes = [128, 32], strides = [1, 1]} : vector<128x64xf32> to vector<128x32xf32>
    %max3A_185 = arith.maximumf %slice3A_183, %slice3A_184 : vector<128x32xf32>
    %slice3A_186 = vector.extract_strided_slice %min3A_182 {offsets = [0, 0], sizes = [128, 32], strides = [1, 1]} : vector<128x64xf32> to vector<128x32xf32>
    %slice3A_187 = vector.extract_strided_slice %min3A_182 {offsets = [0, 32], sizes = [128, 32], strides = [1, 1]} : vector<128x64xf32> to vector<128x32xf32>
    %min3A_188 = arith.minimumf %slice3A_186, %slice3A_187 : vector<128x32xf32>
    %slice3A_189 = vector.extract_strided_slice %max3A_185 {offsets = [0, 0], sizes = [128, 16], strides = [1, 1]} : vector<128x32xf32> to vector<128x16xf32>
    %slice3A_190 = vector.extract_strided_slice %min3A_188 {offsets = [0, 0], sizes = [128, 16], strides = [1, 1]} : vector<128x32xf32> to vector<128x16xf32>
    %get3A_191 = arith.constant 0 : index
    %get3A_192 = arith.constant 0 : index
    %get3A_193 = vector.load %arg34[%get3A_191, %get3A_192] : memref<128x32xf32, #tpu.memory_space<vmem>>, vector<128x32xf32>
    %eq3A_194 = arith.constant 0 : i32
    %eq3A_195 = arith.cmpi eq, %arg2, %eq3A_194 : i32
    %slice3A_196 = vector.extract_strided_slice %get3A_193 {offsets = [0, 0], sizes = [128, 16], strides = [1, 1]} : vector<128x32xf32> to vector<128x16xf32>
    %max3A_197 = arith.maximumf %slice3A_196, %slice3A_189 : vector<128x16xf32>
    %select_n3A_198 = arith.select %eq3A_195, %slice3A_189, %max3A_197 : vector<128x16xf32>
    %eq3A_199 = arith.constant 0 : i32
    %eq3A_200 = arith.cmpi eq, %arg2, %eq3A_199 : i32
    %slice3A_201 = vector.extract_strided_slice %get3A_193 {offsets = [0, 16], sizes = [128, 16], strides = [1, 1]} : vector<128x32xf32> to vector<128x16xf32>
    %min3A_202 = arith.minimumf %slice3A_201, %slice3A_190 : vector<128x16xf32>
    %select_n3A_203 = arith.select %eq3A_200, %slice3A_190, %min3A_202 : vector<128x16xf32>
    %concatenate3A = tpu.concatenate %select_n3A_198, %select_n3A_203 in 1 : vector<128x16xf32>, vector<128x16xf32> -> vector<128x32xf32>
    %swap3A = arith.constant 0 : index
    %swap3A_204 = arith.constant 0 : index
    %swap3A_205 = vector.load %arg34[%swap3A, %swap3A_204] : memref<128x32xf32, #tpu.memory_space<vmem>>, vector<128x32xf32>
    tpu.vector_store %arg34[%swap3A, %swap3A_204], %concatenate3A {strides = array<i32>} : memref<128x32xf32, #tpu.memory_space<vmem>>, vector<128x32xf32>,
    %mul3A_206 = arith.constant 128 : i32
    %mul3A_207 = arith.muli %arg1, %mul3A_206 : i32
    %get3A_208 = arith.constant 0 : index
    %get3A_209 = arith.index_cast %mul3A_207 : i32 to index
    %get3A_210 = arith.constant 0 : index
    %get3A_211 = vector.load %arg7[%get3A_208, %get3A_209, %get3A_210] : memref<1x512x16xf32, #tpu.memory_space<vmem>>, vector<1x128x16xf32>
    %get3A_212 = vector.shape_cast %get3A_211 : vector<1x128x16xf32> to vector<128x16xf32>
    %mul3A_213 = arith.constant 32 : i32
    %mul3A_214 = arith.muli %arg2, %mul3A_213 : i32
    %get3A_215 = arith.constant 0 : index
    %get3A_216 = arith.index_cast %mul3A_214 : i32 to index
    %get3A_217 = arith.constant 0 : index
    %get3A_218 = vector.load %arg8[%get3A_215, %get3A_216, %get3A_217] : memref<1x64x128xf32, #tpu.memory_space<vmem>>, vector<1x32x128xf32>
    %get3A_219 = vector.shape_cast %get3A_218 : vector<1x32x128xf32> to vector<32x128xf32>
    %get3A_220 = arith.constant 0 : index
    %get3A_221 = arith.constant 0 : index
    %get3A_222 = vector.load %arg17[%get3A_220, %get3A_221] : memref<256x512xf32, #tpu.memory_space<vmem>>, vector<256x512xf32>
    %dot_general3A_223 = arith.constant dense<0.000000e+00> : vector<4096x512xf32>
    %dot_general3A_224 = tpu.matmul %mul3A, %get3A_222, %dot_general3A_223 {dimension_numbers = #tpu.dot_dimension_numbers<[1], [0], [0], [1], [0, 0, 1, 1], [], []>, transpose_lhs_hint = false} : vector<4096x256xf32>, vector<256x512xf32>, vector<4096x512xf32> -> vector<4096x512xf32>
    %get3A_225 = arith.constant 0 : index
    %get3A_226 = arith.constant 0 : index
    %get3A_227 = vector.load %arg18[%get3A_225, %get3A_226] : memref<16x512xf32, #tpu.memory_space<vmem>>, vector<16x512xf32>
    %dot_general3A_228 = arith.constant dense<0.000000e+00> : vector<128x512xf32>
    %dot_general3A_229 = tpu.matmul %get3A_212, %get3A_227, %dot_general3A_228 {dimension_numbers = #tpu.dot_dimension_numbers<[1], [0], [0], [1], [0, 0, 1, 1], [], []>, transpose_lhs_hint = false} : vector<128x16xf32>, vector<16x512xf32>, vector<128x512xf32> -> vector<128x512xf32>
    %get3A_230 = arith.constant 0 : index
    %get3A_231 = arith.constant 0 : index
    %get3A_232 = vector.load %arg19[%get3A_230, %get3A_231] : memref<1x512xf32, #tpu.memory_space<vmem>>, vector<1x512xf32>
    %add3A_233 = vector.broadcast %get3A_232 : vector<1x512xf32> to vector<128x512xf32>
    %add3A_234 = arith.addf %dot_general3A_229, %add3A_233 : vector<128x512xf32>
    %get3A_235 = arith.constant 0 : index
    %get3A_236 = arith.constant 0 : index
    %get3A_237 = vector.load %arg20[%get3A_235, %get3A_236] : memref<128x512xf32, #tpu.memory_space<vmem>>, vector<128x512xf32>
    %dot_general3A_238 = arith.constant dense<0.000000e+00> : vector<32x512xf32>
    %dot_general3A_239 = tpu.matmul %get3A_219, %get3A_237, %dot_general3A_238 {dimension_numbers = #tpu.dot_dimension_numbers<[1], [0], [0], [1], [0, 0, 1, 1], [], []>, transpose_lhs_hint = false} : vector<32x128xf32>, vector<128x512xf32>, vector<32x512xf32> -> vector<32x512xf32>
    %reshape3A_240 = vector.shape_cast %dot_general3A_224 : vector<4096x512xf32> to vector<128x32x512xf32>
    %broadcast_in_dim3A_241 = vector.shape_cast %add3A_234 : vector<128x512xf32> to vector<128x1x512xf32>
    %add3A_242 = vector.broadcast %broadcast_in_dim3A_241 : vector<128x1x512xf32> to vector<128x32x512xf32>
    %add3A_243 = arith.addf %reshape3A_240, %add3A_242 : vector<128x32x512xf32>
    %broadcast_in_dim3A_244 = vector.shape_cast %dot_general3A_239 : vector<32x512xf32> to vector<1x32x512xf32>
    %add3A_245 = vector.broadcast %broadcast_in_dim3A_244 : vector<1x32x512xf32> to vector<128x32x512xf32>
    %add3A_246 = arith.addf %add3A_243, %add3A_245 : vector<128x32x512xf32>
    %max3A_247 = arith.constant 0.000000e+00 : f32
    %max3A_248 = vector.broadcast %max3A_247 : f32 to vector<128x32x512xf32>
    %max3A_249 = arith.maximumf %add3A_246, %max3A_248 : vector<128x32x512xf32>
    %reshape3A_250 = vector.shape_cast %max3A_249 : vector<128x32x512xf32> to vector<4096x512xf32>
    %get3A_251 = arith.constant 0 : index
    %get3A_252 = arith.constant 0 : index
    %get3A_253 = vector.load %arg21[%get3A_251, %get3A_252] : memref<512x256xf32, #tpu.memory_space<vmem>>, vector<512x256xf32>
    %dot_general3A_254 = arith.constant dense<0.000000e+00> : vector<4096x256xf32>
    %dot_general3A_255 = tpu.matmul %reshape3A_250, %get3A_253, %dot_general3A_254 {dimension_numbers = #tpu.dot_dimension_numbers<[1], [0], [0], [1], [0, 0, 1, 1], [], []>, transpose_lhs_hint = false} : vector<4096x512xf32>, vector<512x256xf32>, vector<4096x256xf32> -> vector<4096x256xf32>
    %get3A_256 = arith.constant 0 : index
    %get3A_257 = arith.constant 0 : index
    %get3A_258 = vector.load %arg22[%get3A_256, %get3A_257] : memref<1x256xf32, #tpu.memory_space<vmem>>, vector<1x256xf32>
    %add3A_259 = vector.broadcast %get3A_258 : vector<1x256xf32> to vector<4096x256xf32>
    %add3A_260 = arith.addf %dot_general3A_255, %add3A_259 : vector<4096x256xf32>
    %tanh3A_261 = math.tanh %add3A_260 : vector<4096x256xf32>
    %slice3A_262 = vector.extract_strided_slice %tanh3A_261 {offsets = [0, 0], sizes = [4096, 128], strides = [1, 1]} : vector<4096x256xf32> to vector<4096x128xf32>
    %mul3A_263 = arith.constant 2.500000e-01 : f32
    %mul3A_264 = vector.broadcast %mul3A_263 : f32 to vector<4096x128xf32>
    %mul3A_265 = arith.mulf %mul3A_264, %slice3A_262 : vector<4096x128xf32>
    %add3A_266 = arith.constant 2.500000e-01 : f32
    %add3A_267 = vector.broadcast %add3A_266 : f32 to vector<4096x128xf32>
    %add3A_268 = arith.addf %add3A_267, %mul3A_265 : vector<4096x128xf32>
    %slice3A_269 = vector.extract_strided_slice %tanh3A_261 {offsets = [0, 128], sizes = [4096, 128], strides = [1, 1]} : vector<4096x256xf32> to vector<4096x128xf32>
    %add3A_270 = arith.constant 1.000000e+00 : f32
    %add3A_271 = vector.broadcast %add3A_270 : f32 to vector<4096x128xf32>
    %add3A_272 = arith.addf %add3A_271, %slice3A_269 : vector<4096x128xf32>
    %mul3A_273 = arith.mulf %add3A_268, %add3A_272 : vector<4096x128xf32>
    %reshape3A_274 = vector.shape_cast %mul3A_273 : vector<4096x128xf32> to vector<128x32x128xf32>
    %swap3A_275 = arith.constant 0 : index
    %swap3A_276 = arith.constant 0 : index
    %swap3A_277 = arith.constant 0 : index
    %swap3A_278 = arith.constant 0 : index
    %swap3A_279 = vector.load %arg31[%swap3A_275, %swap3A_276, %swap3A_277, %swap3A_278] : memref<1x128x32x128xf32, #tpu.memory_space<vmem>>, vector<1x128x32x128xf32>
    %swap3A_280 = vector.shape_cast %swap3A_279 : vector<1x128x32x128xf32> to vector<128x32x128xf32>
    %swap3A_281 = vector.shape_cast %reshape3A_274 : vector<128x32x128xf32> to vector<1x128x32x128xf32>
    tpu.vector_store %arg31[%swap3A_275, %swap3A_276, %swap3A_277, %swap3A_278], %swap3A_281 {strides = array<i32>} : memref<1x128x32x128xf32, #tpu.memory_space<vmem>>, vector<1x128x32x128xf32>,
    %eq3A_282 = arith.constant 1 : i32
    %eq3A_283 = arith.cmpi eq, %arg2, %eq3A_282 : i32
    %convert_element_type3A = arith.extui %eq3A_283 : i1 to i32
    %cond3A = arith.constant 0 : i32
    %cond3A_284 = arith.cmpi ne, %convert_element_type3A, %cond3A : i32
    scf.if %cond3A_284 {
      %get3A_293 = arith.constant 0 : index
      %get3A_294 = arith.constant 0 : index
      %get3A_295 = vector.load %arg34[%get3A_293, %get3A_294] : memref<128x32xf32, #tpu.memory_space<vmem>>, vector<128x32xf32>
      %get3A_296 = arith.index_cast %arg0 : i32 to index
      %get3A_297 = arith.constant 0 : index
      %get3A_298 = vector.load %arg9[%get3A_296, %get3A_297] : memref<4x16xf32, #tpu.memory_space<vmem>>, vector<1x16xf32>
      %broadcast_in_dim3A_299 = vector.shape_cast %get3A_298 : vector<1x16xf32> to vector<1x16xf32>
      %broadcast_in_dim3A_300 = vector.broadcast %broadcast_in_dim3A_299 : vector<1x16xf32> to vector<128x16xf32>
      %concatenate3A_301 = tpu.concatenate %broadcast_in_dim3A_300, %get3A_212, %get3A_295 in 1 : vector<128x16xf32>, vector<128x16xf32>, vector<128x32xf32> -> vector<128x64xf32>
      %get3A_302 = arith.constant 0 : index
      %get3A_303 = arith.constant 0 : index
      %get3A_304 = vector.load %arg23[%get3A_302, %get3A_303] : memref<64x64xf32, #tpu.memory_space<vmem>>, vector<64x64xf32>
      %get3A_305 = arith.constant 0 : index
      %get3A_306 = arith.constant 0 : index
      %get3A_307 = vector.load %arg24[%get3A_305, %get3A_306] : memref<1x64xf32, #tpu.memory_space<vmem>>, vector<1x64xf32>
      %get3A_308 = arith.constant 0 : index
      %get3A_309 = arith.constant 0 : index
      %get3A_310 = vector.load %arg25[%get3A_308, %get3A_309] : memref<64x17xf32, #tpu.memory_space<vmem>>, vector<64x17xf32>
      %get3A_311 = arith.constant 0 : index
      %get3A_312 = arith.constant 0 : index
      %get3A_313 = vector.load %arg26[%get3A_311, %get3A_312] : memref<1x17xf32, #tpu.memory_space<vmem>>, vector<1x17xf32>
      %dot_general3A_314 = arith.constant dense<0.000000e+00> : vector<128x64xf32>
      %dot_general3A_315 = tpu.matmul %concatenate3A_301, %get3A_304, %dot_general3A_314 {dimension_numbers = #tpu.dot_dimension_numbers<[1], [0], [0], [1], [0, 0, 1, 1], [], []>, transpose_lhs_hint = false} : vector<128x64xf32>, vector<64x64xf32>, vector<128x64xf32> -> vector<128x64xf32>
      %add3A_316 = vector.broadcast %get3A_307 : vector<1x64xf32> to vector<128x64xf32>
      %add3A_317 = arith.addf %dot_general3A_315, %add3A_316 : vector<128x64xf32>
      %max3A_318 = arith.constant 0.000000e+00 : f32
      %max3A_319 = vector.broadcast %max3A_318 : f32 to vector<128x64xf32>
      %max3A_320 = arith.maximumf %add3A_317, %max3A_319 : vector<128x64xf32>
      %dot_general3A_321 = arith.constant dense<0.000000e+00> : vector<128x17xf32>
      %dot_general3A_322 = tpu.matmul %max3A_320, %get3A_310, %dot_general3A_321 {dimension_numbers = #tpu.dot_dimension_numbers<[1], [0], [0], [1], [0, 0, 1, 1], [], []>, transpose_lhs_hint = false} : vector<128x64xf32>, vector<64x17xf32>, vector<128x17xf32> -> vector<128x17xf32>
      %add3A_323 = vector.broadcast %get3A_313 : vector<1x17xf32> to vector<128x17xf32>
      %add3A_324 = arith.addf %dot_general3A_322, %add3A_323 : vector<128x17xf32>
      %slice3A_325 = vector.extract_strided_slice %add3A_324 {offsets = [0, 0], sizes = [128, 16], strides = [1, 1]} : vector<128x17xf32> to vector<128x16xf32>
      %mul3A_326 = arith.constant 5.000000e-01 : f32
      %mul3A_327 = vector.broadcast %mul3A_326 : f32 to vector<128x16xf32>
      %mul3A_328 = arith.mulf %mul3A_327, %slice3A_325 : vector<128x16xf32>
      %tanh3A_329 = math.tanh %mul3A_328 : vector<128x16xf32>
      %mul3A_330 = arith.constant 5.000000e-01 : f32
      %mul3A_331 = vector.broadcast %mul3A_330 : f32 to vector<128x16xf32>
      %mul3A_332 = arith.mulf %mul3A_331, %tanh3A_329 : vector<128x16xf32>
      %add3A_333 = arith.constant 5.000000e-01 : f32
      %add3A_334 = vector.broadcast %add3A_333 : f32 to vector<128x16xf32>
      %add3A_335 = arith.addf %mul3A_332, %add3A_334 : vector<128x16xf32>
      %slice3A_336 = vector.extract_strided_slice %add3A_324 {offsets = [0, 16], sizes = [128, 1], strides = [1, 1]} : vector<128x17xf32> to vector<128x1xf32>
      %mul3A_337 = arith.constant 5.000000e-01 : f32
      %mul3A_338 = vector.broadcast %mul3A_337 : f32 to vector<128x1xf32>
      %mul3A_339 = arith.mulf %mul3A_338, %slice3A_336 : vector<128x1xf32>
      %tanh3A_340 = math.tanh %mul3A_339 : vector<128x1xf32>
      %mul3A_341 = arith.constant 5.000000e-01 : f32
      %mul3A_342 = vector.broadcast %mul3A_341 : f32 to vector<128x1xf32>
      %mul3A_343 = arith.mulf %mul3A_342, %tanh3A_340 : vector<128x1xf32>
      %add3A_344 = arith.constant 5.000000e-01 : f32
      %add3A_345 = vector.broadcast %add3A_344 : f32 to vector<128x1xf32>
      %add3A_346 = arith.addf %mul3A_343, %add3A_345 : vector<128x1xf32>
      %mul3A_347 = vector.broadcast %add3A_346 : vector<128x1xf32> to vector<128x16xf32>
      %mul3A_348 = arith.mulf %add3A_335, %mul3A_347 : vector<128x16xf32>
      %swap3A_349 = arith.constant 0 : index
      %swap3A_350 = arith.constant 0 : index
      %swap3A_351 = arith.constant 0 : index
      %swap3A_352 = vector.load %arg32[%swap3A_349, %swap3A_350, %swap3A_351] : memref<1x128x16xf32, #tpu.memory_space<vmem>>, vector<1x128x16xf32>
      %swap3A_353 = vector.shape_cast %swap3A_352 : vector<1x128x16xf32> to vector<128x16xf32>
      %swap3A_354 = vector.shape_cast %mul3A_348 : vector<128x16xf32> to vector<1x128x16xf32>
      tpu.vector_store %arg32[%swap3A_349, %swap3A_350, %swap3A_351], %swap3A_354 {strides = array<i32>} : memref<1x128x16xf32, #tpu.memory_space<vmem>>, vector<1x128x16xf32>,
    } else {
    }
    %eq3A_285 = arith.constant 1 : i32
    %eq3A_286 = arith.cmpi eq, %arg2, %eq3A_285 : i32
    %eq3A_287 = arith.constant 3 : i32
    %eq3A_288 = arith.cmpi eq, %arg1, %eq3A_287 : i32
    %and3A_289 = arith.andi %eq3A_286, %eq3A_288 : i1
    %convert_element_type3A_290 = arith.extui %and3A_289 : i1 to i32
    %cond3A_291 = arith.constant 0 : i32
    %cond3A_292 = arith.cmpi ne, %convert_element_type3A_290, %cond3A_291 : i32
    scf.if %cond3A_292 {
      %get3A_293 = arith.constant 0 : index
      %get3A_294 = arith.constant 0 : index
      %get3A_295 = arith.constant 0 : index
      %get3A_296 = vector.load %arg7[%get3A_293, %get3A_294, %get3A_295] : memref<1x512x16xf32, #tpu.memory_space<vmem>>, vector<1x512x16xf32>
      %get3A_297 = vector.shape_cast %get3A_296 : vector<1x512x16xf32> to vector<512x16xf32>
      %reduce_max3A = arith.constant dense<0xFF800000> : vector<16xf32>
      %reduce_max3A_298 = vector.multi_reduction <maximumf>, %get3A_297, %reduce_max3A [0] : vector<512x16xf32> to vector<16xf32>
      %reduce_min3A = arith.constant dense<0x7F800000> : vector<16xf32>
      %reduce_min3A_299 = vector.multi_reduction <minimumf>, %get3A_297, %reduce_min3A [0] : vector<512x16xf32> to vector<16xf32>
      %concatenate3A_300 = tpu.concatenate %reduce_max3A_298, %reduce_min3A_299 in 0 : vector<16xf32>, vector<16xf32> -> vector<32xf32>
      %broadcast_in_dim3A_301 = vector.shape_cast %concatenate3A_300 : vector<32xf32> to vector<1x32xf32>
      %get3A_302 = arith.index_cast %arg0 : i32 to index
      %get3A_303 = arith.constant 0 : index
      %get3A_304 = vector.load %arg9[%get3A_302, %get3A_303] : memref<4x16xf32, #tpu.memory_space<vmem>>, vector<1x16xf32>
      %concatenate3A_305 = tpu.concatenate %get3A_304, %broadcast_in_dim3A_301 in 1 : vector<1x16xf32>, vector<1x32xf32> -> vector<1x48xf32>
      %get3A_306 = arith.constant 0 : index
      %get3A_307 = arith.constant 0 : index
      %get3A_308 = vector.load %arg27[%get3A_306, %get3A_307] : memref<48x64xf32, #tpu.memory_space<vmem>>, vector<48x64xf32>
      %get3A_309 = arith.constant 0 : index
      %get3A_310 = arith.constant 0 : index
      %get3A_311 = vector.load %arg28[%get3A_309, %get3A_310] : memref<1x64xf32, #tpu.memory_space<vmem>>, vector<1x64xf32>
      %get3A_312 = arith.constant 0 : index
      %get3A_313 = arith.constant 0 : index
      %get3A_314 = vector.load %arg29[%get3A_312, %get3A_313] : memref<64x17xf32, #tpu.memory_space<vmem>>, vector<64x17xf32>
      %get3A_315 = arith.constant 0 : index
      %get3A_316 = arith.constant 0 : index
      %get3A_317 = vector.load %arg30[%get3A_315, %get3A_316] : memref<1x17xf32, #tpu.memory_space<vmem>>, vector<1x17xf32>
      %dot_general3A_318 = arith.constant dense<0.000000e+00> : vector<1x64xf32>
      %dot_general3A_319 = tpu.matmul %concatenate3A_305, %get3A_308, %dot_general3A_318 {dimension_numbers = #tpu.dot_dimension_numbers<[1], [0], [0], [1], [0, 0, 1, 1], [], []>, transpose_lhs_hint = false} : vector<1x48xf32>, vector<48x64xf32>, vector<1x64xf32> -> vector<1x64xf32>
      %add3A_320 = arith.addf %dot_general3A_319, %get3A_311 : vector<1x64xf32>
      %max3A_321 = arith.constant 0.000000e+00 : f32
      %max3A_322 = vector.broadcast %max3A_321 : f32 to vector<1x64xf32>
      %max3A_323 = arith.maximumf %add3A_320, %max3A_322 : vector<1x64xf32>
      %dot_general3A_324 = arith.constant dense<0.000000e+00> : vector<1x17xf32>
      %dot_general3A_325 = tpu.matmul %max3A_323, %get3A_314, %dot_general3A_324 {dimension_numbers = #tpu.dot_dimension_numbers<[1], [0], [0], [1], [0, 0, 1, 1], [], []>, transpose_lhs_hint = false} : vector<1x64xf32>, vector<64x17xf32>, vector<1x17xf32> -> vector<1x17xf32>
      %add3A_326 = arith.addf %dot_general3A_325, %get3A_317 : vector<1x17xf32>
      %slice3A_327 = vector.extract_strided_slice %add3A_326 {offsets = [0, 0], sizes = [1, 16], strides = [1, 1]} : vector<1x17xf32> to vector<1x16xf32>
      %mul3A_328 = arith.constant 5.000000e-01 : f32
      %mul3A_329 = vector.broadcast %mul3A_328 : f32 to vector<1x16xf32>
      %mul3A_330 = arith.mulf %mul3A_329, %slice3A_327 : vector<1x16xf32>
      %tanh3A_331 = math.tanh %mul3A_330 : vector<1x16xf32>
      %mul3A_332 = arith.constant 5.000000e-01 : f32
      %mul3A_333 = vector.broadcast %mul3A_332 : f32 to vector<1x16xf32>
      %mul3A_334 = arith.mulf %mul3A_333, %tanh3A_331 : vector<1x16xf32>
      %add3A_335 = arith.constant 5.000000e-01 : f32
      %add3A_336 = vector.broadcast %add3A_335 : f32 to vector<1x16xf32>
      %add3A_337 = arith.addf %mul3A_334, %add3A_336 : vector<1x16xf32>
      %slice3A_338 = vector.extract_strided_slice %add3A_326 {offsets = [0, 16], sizes = [1, 1], strides = [1, 1]} : vector<1x17xf32> to vector<1x1xf32>
      %mul3A_339 = arith.constant 5.000000e-01 : f32
      %mul3A_340 = vector.broadcast %mul3A_339 : f32 to vector<1x1xf32>
      %mul3A_341 = arith.mulf %mul3A_340, %slice3A_338 : vector<1x1xf32>
      %tanh3A_342 = math.tanh %mul3A_341 : vector<1x1xf32>
      %mul3A_343 = arith.constant 5.000000e-01 : f32
      %mul3A_344 = vector.broadcast %mul3A_343 : f32 to vector<1x1xf32>
      %mul3A_345 = arith.mulf %mul3A_344, %tanh3A_342 : vector<1x1xf32>
      %add3A_346 = arith.constant 5.000000e-01 : f32
      %add3A_347 = vector.broadcast %add3A_346 : f32 to vector<1x1xf32>
      %add3A_348 = arith.addf %mul3A_345, %add3A_347 : vector<1x1xf32>
      %mul3A_349 = vector.broadcast %add3A_348 : vector<1x1xf32> to vector<1x16xf32>
      %mul3A_350 = arith.mulf %add3A_337, %mul3A_349 : vector<1x16xf32>
      %swap3A_351 = arith.index_cast %arg0 : i32 to index
      %swap3A_352 = arith.constant 0 : index
      %swap3A_353 = vector.load %arg33[%swap3A_351, %swap3A_352] : memref<4x16xf32, #tpu.memory_space<vmem>>, vector<1x16xf32>
      tpu.vector_store %arg33[%swap3A_351, %swap3A_352], %mul3A_350 {strides = array<i32>} : memref<4x16xf32, #tpu.memory_space<vmem>>, vector<1x16xf32>,
    } else {
    }
    return
  }
  func.func @transform_0(%arg0: i32, %arg1: i32, %arg2: i32) -> (i32, i32, i32, i32) {
    %c0_i32 = arith.constant 0 : i32
    %c0_i32_0 = arith.constant 0 : i32
    return %arg0, %arg1, %arg2, %c0_i32 : i32, i32, i32, i32
  }
  func.func @transform_1(%arg0: i32, %arg1: i32, %arg2: i32) -> (i32, i32, i32, i32) {
    %c0_i32 = arith.constant 0 : i32
    %c0_i32_0 = arith.constant 0 : i32
    return %arg0, %arg1, %arg2, %c0_i32 : i32, i32, i32, i32
  }
  func.func @transform_2(%arg0: i32, %arg1: i32, %arg2: i32) -> (i32, i32, i32) {
    %c0_i32 = arith.constant 0 : i32
    %c0_i32_0 = arith.constant 0 : i32
    return %arg0, %arg1, %c0_i32 : i32, i32, i32
  }
  func.func @transform_3(%arg0: i32, %arg1: i32, %arg2: i32) -> (i32, i32, i32) {
    %c0_i32 = arith.constant 0 : i32
    %c0_i32_0 = arith.constant 0 : i32
    return %arg0, %arg2, %c0_i32 : i32, i32, i32
  }
  func.func @transform_4(%arg0: i32, %arg1: i32, %arg2: i32) -> (i32, i32, i32) {
    %c0_i32 = arith.constant 0 : i32
    %c0_i32_0 = arith.constant 0 : i32
    %c0_i32_1 = arith.constant 0 : i32
    return %arg0, %c0_i32, %c0_i32_0 : i32, i32, i32
  }
  func.func @transform_5(%arg0: i32, %arg1: i32, %arg2: i32) -> (i32, i32, i32) {
    %c0_i32 = arith.constant 0 : i32
    %c0_i32_0 = arith.constant 0 : i32
    %c0_i32_1 = arith.constant 0 : i32
    return %arg0, %c0_i32, %c0_i32_0 : i32, i32, i32
  }
  func.func @transform_6(%arg0: i32, %arg1: i32, %arg2: i32) -> (i32, i32) {
    %c0_i32 = arith.constant 0 : i32
    %c0_i32_0 = arith.constant 0 : i32
    %c0_i32_1 = arith.constant 0 : i32
    return %c0_i32, %c0_i32_0 : i32, i32
  }
  func.func @transform_7(%arg0: i32, %arg1: i32, %arg2: i32) -> (i32, i32) {
    %c0_i32 = arith.constant 0 : i32
    %c0_i32_0 = arith.constant 0 : i32
    %c0_i32_1 = arith.constant 0 : i32
    return %c0_i32, %c0_i32_0 : i32, i32
  }
  func.func @transform_8(%arg0: i32, %arg1: i32, %arg2: i32) -> (i32, i32) {
    %c0_i32 = arith.constant 0 : i32
    %c0_i32_0 = arith.constant 0 : i32
    %c0_i32_1 = arith.constant 0 : i32
    return %c0_i32, %c0_i32_0 : i32, i32
  }
  func.func @transform_9(%arg0: i32, %arg1: i32, %arg2: i32) -> (i32, i32) {
    %c0_i32 = arith.constant 0 : i32
    %c0_i32_0 = arith.constant 0 : i32
    %c0_i32_1 = arith.constant 0 : i32
    return %c0_i32, %c0_i32_0 : i32, i32
  }
  func.func @transform_10(%arg0: i32, %arg1: i32, %arg2: i32) -> (i32, i32) {
    %c0_i32 = arith.constant 0 : i32
    %c0_i32_0 = arith.constant 0 : i32
    %c0_i32_1 = arith.constant 0 : i32
    return %c0_i32, %c0_i32_0 : i32, i32
  }
  func.func @transform_11(%arg0: i32, %arg1: i32, %arg2: i32) -> (i32, i32) {
    %c0_i32 = arith.constant 0 : i32
    %c0_i32_0 = arith.constant 0 : i32
    %c0_i32_1 = arith.constant 0 : i32
    return %c0_i32, %c0_i32_0 : i32, i32
  }
  func.func @transform_12(%arg0: i32, %arg1: i32, %arg2: i32) -> (i32, i32) {
    %c0_i32 = arith.constant 0 : i32
    %c0_i32_0 = arith.constant 0 : i32
    %c0_i32_1 = arith.constant 0 : i32
    return %c0_i32, %c0_i32_0 : i32, i32
  }
  func.func @transform_13(%arg0: i32, %arg1: i32, %arg2: i32) -> (i32, i32) {
    %c0_i32 = arith.constant 0 : i32
    %c0_i32_0 = arith.constant 0 : i32
    %c0_i32_1 = arith.constant 0 : i32
    return %c0_i32, %c0_i32_0 : i32, i32
  }
  func.func @transform_14(%arg0: i32, %arg1: i32, %arg2: i32) -> (i32, i32) {
    %c0_i32 = arith.constant 0 : i32
    %c0_i32_0 = arith.constant 0 : i32
    %c0_i32_1 = arith.constant 0 : i32
    return %c0_i32, %c0_i32_0 : i32, i32
  }
  func.func @transform_15(%arg0: i32, %arg1: i32, %arg2: i32) -> (i32, i32) {
    %c0_i32 = arith.constant 0 : i32
    %c0_i32_0 = arith.constant 0 : i32
    %c0_i32_1 = arith.constant 0 : i32
    return %c0_i32, %c0_i32_0 : i32, i32
  }
  func.func @transform_16(%arg0: i32, %arg1: i32, %arg2: i32) -> (i32, i32) {
    %c0_i32 = arith.constant 0 : i32
    %c0_i32_0 = arith.constant 0 : i32
    %c0_i32_1 = arith.constant 0 : i32
    return %c0_i32, %c0_i32_0 : i32, i32
  }
  func.func @transform_17(%arg0: i32, %arg1: i32, %arg2: i32) -> (i32, i32) {
    %c0_i32 = arith.constant 0 : i32
    %c0_i32_0 = arith.constant 0 : i32
    %c0_i32_1 = arith.constant 0 : i32
    return %c0_i32, %c0_i32_0 : i32, i32
  }
  func.func @transform_18(%arg0: i32, %arg1: i32, %arg2: i32) -> (i32, i32) {
    %c0_i32 = arith.constant 0 : i32
    %c0_i32_0 = arith.constant 0 : i32
    %c0_i32_1 = arith.constant 0 : i32
    return %c0_i32, %c0_i32_0 : i32, i32
  }
  func.func @transform_19(%arg0: i32, %arg1: i32, %arg2: i32) -> (i32, i32) {
    %c0_i32 = arith.constant 0 : i32
    %c0_i32_0 = arith.constant 0 : i32
    %c0_i32_1 = arith.constant 0 : i32
    return %c0_i32, %c0_i32_0 : i32, i32
  }
  func.func @transform_20(%arg0: i32, %arg1: i32, %arg2: i32) -> (i32, i32) {
    %c0_i32 = arith.constant 0 : i32
    %c0_i32_0 = arith.constant 0 : i32
    %c0_i32_1 = arith.constant 0 : i32
    return %c0_i32, %c0_i32_0 : i32, i32
  }
  func.func @transform_21(%arg0: i32, %arg1: i32, %arg2: i32) -> (i32, i32) {
    %c0_i32 = arith.constant 0 : i32
    %c0_i32_0 = arith.constant 0 : i32
    %c0_i32_1 = arith.constant 0 : i32
    return %c0_i32, %c0_i32_0 : i32, i32
  }
  func.func @transform_22(%arg0: i32, %arg1: i32, %arg2: i32) -> (i32, i32) {
    %c0_i32 = arith.constant 0 : i32
    %c0_i32_0 = arith.constant 0 : i32
    %c0_i32_1 = arith.constant 0 : i32
    return %c0_i32, %c0_i32_0 : i32, i32
  }
  func.func @transform_23(%arg0: i32, %arg1: i32, %arg2: i32) -> (i32, i32) {
    %c0_i32 = arith.constant 0 : i32
    %c0_i32_0 = arith.constant 0 : i32
    %c0_i32_1 = arith.constant 0 : i32
    return %c0_i32, %c0_i32_0 : i32, i32
  }
  func.func @transform_24(%arg0: i32, %arg1: i32, %arg2: i32) -> (i32, i32) {
    %c0_i32 = arith.constant 0 : i32
    %c0_i32_0 = arith.constant 0 : i32
    %c0_i32_1 = arith.constant 0 : i32
    return %c0_i32, %c0_i32_0 : i32, i32
  }
  func.func @transform_25(%arg0: i32, %arg1: i32, %arg2: i32) -> (i32, i32) {
    %c0_i32 = arith.constant 0 : i32
    %c0_i32_0 = arith.constant 0 : i32
    %c0_i32_1 = arith.constant 0 : i32
    return %c0_i32, %c0_i32_0 : i32, i32
  }
  func.func @transform_26(%arg0: i32, %arg1: i32, %arg2: i32) -> (i32, i32) {
    %c0_i32 = arith.constant 0 : i32
    %c0_i32_0 = arith.constant 0 : i32
    %c0_i32_1 = arith.constant 0 : i32
    return %c0_i32, %c0_i32_0 : i32, i32
  }
  func.func @transform_27(%arg0: i32, %arg1: i32, %arg2: i32) -> (i32, i32) {
    %c0_i32 = arith.constant 0 : i32
    %c0_i32_0 = arith.constant 0 : i32
    %c0_i32_1 = arith.constant 0 : i32
    return %c0_i32, %c0_i32_0 : i32, i32
  }
  func.func @transform_28(%arg0: i32, %arg1: i32, %arg2: i32) -> (i32, i32, i32, i32) {
    %c0_i32 = arith.constant 0 : i32
    %c0_i32_0 = arith.constant 0 : i32
    return %arg0, %arg1, %arg2, %c0_i32 : i32, i32, i32, i32
  }
  func.func @transform_29(%arg0: i32, %arg1: i32, %arg2: i32) -> (i32, i32, i32) {
    %c0_i32 = arith.constant 0 : i32
    %c0_i32_0 = arith.constant 0 : i32
    return %arg0, %arg1, %c0_i32 : i32, i32, i32
  }
  func.func @transform_30(%arg0: i32, %arg1: i32, %arg2: i32) -> (i32, i32) {
    %c0_i32 = arith.constant 0 : i32
    %c0_i32_0 = arith.constant 0 : i32
    %c0_i32_1 = arith.constant 0 : i32
    return %c0_i32, %c0_i32_0 : i32, i32
  }
}

</mosaic_0001>

<sc_bundles>
// kernel: sparse-core-data-format-call.cloned.1.call-start
scs
called_computation_lowered:
.L_overlay_start_0:
0x0: {  	s2 =	sld [smem:$0x3FD9]  }
0x1: {  	s3 =	sld [smem:$0x3FFE];
	_ =	sdelay $0x1  }
0x2: {  	s1 =	srdreg.scid  }
0x3: {  	s0 =	sand.u32 $0x1, s1  }
0x4: {  	s15 =	sshll.u32 s0, $0xA;
	s2 =	sadd.s32 s3, s2  }
0x5: {  	s2 =	sadd.s32 s2, s15  }
0x6: {  	[smem:$0x3F96] =	sst s2  }
0x7: {  	_ = 	snop  }
0x8: {  	s2 =	sld [smem:$0x3FD0];
	_ =	sdelay $0x2  }
0x9: {  	s16 =	simm.s32 $0xA;
	s4 =	simm.s32 $0x10  }
0xa: {  	[smem:s4], [sflag:s16] =	dma.local [hbm:s2], $0x1  }
0xb: {  	_ =	swait.eq [sflag:s16], $0x1  }
0xc: {  	[sflag:s16] =	ssyncset.done $0x0  }
0xd: {  	[sflag:s16] =	ssyncadd.s32 $0xFFFFFFFF  }
0xe: {  	s17 =	sld [smem:$0x12];
	(tm) =	ssettm $0x1  }
0xf: {  	s18 =	sld [smem:$0x3FFB];
	_ =	sdelay $0x3  }
0x10: {  	_ =	strace s18  }
0x11: {  	s3 =	sld [smem:$0x3FFC];
	_ =	sdelay $0x3  }
0x12: {  	_ =	strace s3  }
0x13: {  	s3 =	sld [smem:$0x3FFD];
	_ =	sdelay $0x3  }
0x14: {  	_ =	strace s3  }
0x15: {  	_ =	strace $0x8FFFFFFF  }
0x16: {  	s19 =	sld [smem:$0x3FDB];
	_ =	sdelay $0x1  }
0x17: {  	s20 =	simm.s32 $_scs_section_size  }
0x18: {  	s5 =	simm.s32 $_size__tile_overlayer_lowered;
	s6 =	simm.s32 $_tile_overlayer_lowered  }
0x19: {  	s23 =	simm.s32 $0x1BFF;
	s22 =	sshll.u32 s6, $0x1;
	s3 =	sadd.s32 s20, s19  }
0x1a: {  	s7 =	simm.s32 $0x0;
	s21 =	sshll.u32 s5, $0x1;
	s5 =	sadd.s32 s22, s3  }
0x1b: {  	[timem:s7], [sflag:s23] =	dma.local [hbm:s5], s21  }
0x1c: {  	_ =	swait.ge [sflag:s23], s21  }
0x1d: {  	s4 =	ssub.s32 $0x0, s21;
	[sflag:s23] =	ssyncset.done $0x0  }
0x1e: {  	[sflag:s23] =	ssyncadd.s32 s4;
	_ =	sdelay $0x1  }
0x1f: {  	s24 =	simm.s32 $0x1B8B  }
0x20: {  	_ =	swait.ge [sflag:s24], $0x1  }
0x21: {  	[sflag:s24] =	ssyncset.done $0x0  }
0x22: {  	s26 =	simm.s32 $0x1B8E;
	s25 =	sld [smem:$0x3FFE];
	[sflag:s24] =	ssyncadd.s32 $0xFFFFFFFF  }
0x23: {  	s27 =	simm.s32 $execute0_lowered;
	[smem:$0x3FD2] =	sst s26  }
0x24: {  	s5 =	sshll.u32 s27, $0x1;
	_ =	strace $0x80000046;
	[dreg:$0x1] =	wrdreg $0xFFFFFFFF  }
0x25: {  	s28 =	simm.s32 $_size_execute0_lowered;
	s3 =	sadd.s32 s3, s5;
	[dreg:$0x0] =	wrdreg $0x0  }
0x26: {  	s5 =	sshll.u32 s28, $0x1;
	[dreg:$0x2] =	wrdreg s3  }
0x27: {  	[dreg:$0x3] =	wrdreg s5  }
0x28: {  	[dreg:$0x4] =	wrdreg $0xC0  }
0x29: {  	_ =	task [dreg:s7], $0x5FFFF  }
0x2a: {  	[dreg:$0x1] =	wrdreg $0xFFFFFFFF  }
0x2b: {  	[dreg:$0x0] =	wrdreg $0x60  }
0x2c: {  	[dreg:$0x2] =	wrdreg s25  }
0x2d: {  	[dreg:$0x3] =	wrdreg s17  }
0x2e: {  	[dreg:$0x4] =	wrdreg $0x9  }
0x2f: {  	_ =	task.clear_ibuf [dreg:s7], $0x5FFFF;
	_ =	strace $0x90000046  }
0x30: {  	s29 =	simm.s32 $0x9;
	_ =	strace $0x80000048  }
0x31: {  	_ =	swait.ge [sflag:s29], $0x1  }
0x32: {  	[sflag:s29] =	ssyncadd.s32 $0xFFFFFFFF  }
0x33: {  	_ =	strace $0x90000048  }
0x34: {  	_ =	sfence  }
0x35: {  	s30 =	sld [smem:$0x0];
	_ =	sdelay $0x2  }
0x36: {  	s31 =	sshll.u32 s1, $0xD;
	s1 =	sshrl.u32 s1, $0x2  }
0x37: {  	s3 =	sand.u32 $0x4000, s31;
	s1 =	sadd.s32 s1, s30  }
0x38: {  	s0 =	sor.u32 s3, s0;
	s1 =	sshll.u32 s1, $0x11  }
0x39: {  	s0 =	sor.u32 s1, s0  }
0x3a: {  	s0 =	sadd.s32 $0x8F2B, s0  }
0x3b: {  	[sflag:s0] =	ssyncadd.remote.s32 $0x1  }
0x3c: {  	_ =	sfence.sel $0xFFFF  }
0x3d: {  	[dreg:$0x0] =	wrdreg $0xFFFFFFFF;
	(pc) =	sbr.abs _section_cstart, $3  }
0x3e: {  	[dreg:$0x1] =	wrdreg $0xFFFFFFFF  }
0x3f: {  	_ =	task.clear_ibuf [dreg:s7], $0x2FFFF;
	_ =	strace $0x9FFFFFFF  }
0x40: {  	(tm) =	ssettm $0x7FFFFFFF  }
0x41: {  	_ =	shalt  }
tec
execute0_lowered:
.L_overlay_start_1:
0x0: {  	(tag) =	ssettag $0x1  }
0x1: {  	s0 =	stileid.u32;
	s6 =	rddreg [dreg:$0x0]  }
0x2: {  	s2 =	srdreg.scid;
	s3 =	rddreg [dreg:$0x1]  }
0x3: {  	s7 =	simm.s32 $0x1;
	s31 =	simm.s32 $0x2;
	s16 =	simm.s32 $0x0  }
0x4: {  	s10 =	simm.s32 $0x2000;
	s19 =	simm.s32 $0x0;
	s1 =	sshll.u32 s0, $0x5  }
0x5: {  	s17 =	simm.s32 $0x0;
	s18 =	simm.s32 $0x0;
	s1 =	sand.u32 $0x180, s1  }
0x6: {  	s11 =	simm.s32 $0x0;
	s15 =	simm.s32 $0x0;
	s5 =	ssub.s32 $0x200, s1  }
0x7: {  	s4 =	sand.u32 $0x1, s2;
	s2 =	rddreg [dreg:$0x2];
	s30 =	sand.u32 $0x180, s5  }
0x8: {  	_ =	strace $0x80000047;
	s8 =	ssub.s32 $0x10, s4;
	p0 =	sne.s32 s30, $0x0  }
0x9: {  	s9 =	sshrl.u32 s8, $0x1;
	s5 =	sshrl.u32 s5, $0x9;
	s7 =	simm.s32 @!p0 $0x0  }
.Ltmp0:
0xa: {  	s8 =	ssub.s32 s8, s9;
	s7 =	sadd.s32 s7, s5;
	(pc) =	sbr.rel .LBB1_1-.Ltmp0, $4  }
0xb: {  	s6 =	sadd.s32 $0xC000, s6;
	s12 =	smov.u32 s4;
	s8 =	smul.u32 s7, s8  }
0xc: {  	s13 =	smov.u32 s1;
	p0 =	por $0x0, $0x0;
	s5 =	simm.s32 $0x1  }
0xd: {  	[sflag:s5] =	ssyncpa.u1 $0x0;
	s7 =	sand.u32 $0x3, s0;
	s8 =	sshll.u32 s8, $0x2  }
0xe: {  	[sflag:s31] =	ssyncpa.u1 $0x0;
	s14 =	smov.u32 s7;
	s9 =	sor.u32 $0x1, s8  }
.LBB1_4:
0xf: {  	v5 =	vld [tilespmem:s22+$0xFFFFFFD0];
	[tilespmem:s23+$0x2040 ss:$0x81] =	vst.msk $0xffff, v1  }
0x10: {  	v58 =	vld [tilespmem:s22+$0xFFFFFFE0];
	[tilespmem:s23+$0x2850 ss:$0x81] =	vst.msk $0xffff, v2  }
0x11: {  	s24 =	sshra.s32 s24, $0x2;
	v59 =	vld [tilespmem:s22+$0xFFFFFFF0];
	[tilespmem:s23+$0x3060 ss:$0x81] =	vst.msk $0xffff, v3  }
0x12: {  	v60 =	vld [tilespmem:s22+$0x0];
	[tilespmem:s23+$0x0 ss:$0x81] =	vst.msk $0xffff, v0;
	s21 =	sadd.s32 s24, s21  }
0x13: {  	v61 =	vld [tilespmem:s22+$0x10];
	s31 =	sand.u32 $0x78, s17;
	s26 =	sshll.u32 s19, $0x9;
	s25 =	sshll.u32 s17, $0x3;
	[tilespmem:s21+$0x3870 ss:$0x81] =	vst.msk $0xffff, v4  }
0x14: {  	v62 =	vld [tilespmem:s22+$0x20];
	s27 =	sshll.u32 s19, $0x7;
	s18 =	sshll.u32 s18, $0x13;
	s16 =	sshll.u32 s16, $0xA;
	[tilespmem:s21+$0x810 ss:$0x81] =	vst.msk $0xffff, v5  }
0x15: {  	v63 =	vld [tilespmem:s22+$0xFFFFFFC0];
	s30 =	sand.u32 $0x7, s17;
	s24 =	sand.u32 $0x1000, s26;
	s25 =	sand.u32 $0x1C00, s25;
	[tilespmem:s21+$0x1020 ss:$0x81] =	vst.msk $0xffff, v58  }
0x16: {  	s29 =	sand.u32 $0x200, s27;
	s19 =	sand.u32 $0x180, s27;
	s28 =	sadd.s32 s25, s24;
	[tilespmem:s21+$0x1830 ss:$0x81] =	vst.msk $0xffff, v59  }
0x17: {  	s18 =	sadd.s32 s3, s18;
	s19 =	sor.u32 s31, s19;
	s22 =	sor.u32 s29, s28;
	[tilespmem:s21+$0x2040 ss:$0x81] =	vst.msk $0xffff, v60  }
0x18: {  	s16 =	sadd.s32 s16, s18;
	s19 =	sshrl.u32 s19, $0x3;
	s22 =	sshrl.u32 s22, $0x3;
	[tilespmem:s21+$0x2850 ss:$0x81] =	vst.msk $0xffff, v61  }
0x19: {  	s17 =	sshll.u32 s30, $0x12;
	s16 =	sadd.s32 s19, s16;
	[tilespmem:s21+$0x3060 ss:$0x81] =	vst.msk $0xffff, v62;
	s31 =	sand.u32 $0x3C0, s22  }
0x1a: {  	s17 =	sor.u32 $0x80, s17;
	[tilespmem:s21+$0x0 ss:$0x81] =	vst.msk $0xffff, v63;
	s16 =	sadd.s32 s31, s16  }
0x1b: {  	[hbm4b:s16+s17] =	stream.strided.scatter [tilespmem:s20], [sflag:$0x2], $0x4000, s10, s17, $0x20;
	[tilespmem:$0x10100] =	vst v63  }
.LBB1_5:
0x1c: {  	s20 =	sadd.s32 $0x80, s11  }
0x1d: {  	s16 =	sadd.s32 $0x2, s12;
	s21 =	smov.u32 s12;
	p2 =	sgt.s32 s20, $0x1FF  }
0x1e: {  	s21 =	smov.u32 @p2 s16  }
0x1f: {  	s22 =	smov.u32 s13;
	s16 =	sadd.s32 $0x200, s13;
	p3 =	sgt.s32 s21, $0xF  }
0x20: {  	s22 =	smov.u32 @p3 s16  }
0x21: {  	s23 =	smov.u32 s14;
	s16 =	sadd.s32 $0x4, s14;
	p4 =	sgt.s32 s22, $0x1FF  }
0x22: {  	p1 =	slt.u32 s15, $0x2;
	s23 =	smov.u32 @p4 s16  }
0x23: {  	s19 =	smov.u32 s12;
	s20 =	simm.s32 @p2 $0x0;
	p2 =	sgt.s32 s23, $0x3  }
0x24: {  	s24 =	simm.s32 @!p1 $0x2;
	s23 =	smov.u32 @p2 s7;
	p2 =	sne.s32 s15, s9  }
.Ltmp1:
0x25: {  	s17 =	smov.u32 s13;
	_ =	swait.ge @!p1 [sflag:s24], $0x4000;
	(pc) =	sbr.rel @!p2 .LBB1_6-.Ltmp1, $4  }
0x26: {  	s18 =	smov.u32 s14;
	[sflag:s24] =	ssyncset.done @!p1 $0x0;
	s21 =	smov.u32 @p3 s4  }
0x27: {  	p0 =	por !p0, !p0;
	[sflag:s24] =	ssyncadd.s32 @!p1 $0xFFFFC000;
	s12 =	smov.u32 s21  }
0x28: {  	s22 =	smov.u32 @p4 s1;
	s16 =	smov.u32 s11;
	s11 =	smov.u32 s20  }
0x29: {  	s13 =	smov.u32 s22;
	s15 =	sadd.s32 $0x1, s15;
	s14 =	smov.u32 s23  }
.LBB1_1:
0x2a: {  	p1 =	sge.u32 s15, s8;
	s31 =	sadd.s32 $0xFFFFFFFF, s15  }
0x2b: {  	s20 =	sxor.u32 @!p1 $0xFFFFFFFF, s15;
	s21 =	sand.u32 @!p1 $0x78, s11;
	s22 =	sshll.u32 @!p1 s12, $0x9  }
0x2c: {  	s23 =	sshll.u32 @!p1 s11, $0x3;
	s24 =	sshll.u32 @!p1 s12, $0x7;
	s20 =	sshll.u32 @!p1 s20, $0xE  }
0x2d: {  	s22 =	sand.u32 @!p1 $0x1000, s22;
	s23 =	sand.u32 @!p1 $0x1C00, s23;
	s20 =	sand.u32 @!p1 $0x4000, s20  }
0x2e: {  	s22 =	sadd.s32 @!p1 s22, s23;
	s23 =	sand.u32 @!p1 $0x200, s24;
	s24 =	sand.u32 @!p1 $0x180, s24  }
0x2f: {  	s22 =	sor.u32 @!p1 s23, s22;
	s21 =	sor.u32 @!p1 s21, s24;
	s23 =	sshll.u32 @!p1 s14, $0x13  }
0x30: {  	s24 =	sshll.u32 @!p1 s13, $0xA;
	s22 =	sshrl.u32 @!p1 s22, $0x3;
	s23 =	sadd.s32 @!p1 s6, s23  }
0x31: {  	s21 =	sshrl.u32 @!p1 s21, $0x3;
	s23 =	sadd.s32 @!p1 s24, s23;
	s24 =	sand.u32 @!p1 $0x7, s11  }
0x32: {  	s22 =	sand.u32 @!p1 $0x3C0, s22;
	s21 =	sadd.s32 @!p1 s21, s23;
	s23 =	sshll.u32 @!p1 s24, $0x12  }
0x33: {  	s21 =	sadd.s32 @!p1 s22, s21;
	s22 =	sor.u32 @!p1 $0x80, s23;
	s23 =	simm.s32 @!p1 $0x2000  }
0x34: {  	[tilespmem:s20], [sflag:$0x1] =	stream.strided.gather @!p1 [hbm4b:s21+s22], $0x4000, s23, s22, $0x38;
	[tilespmem:$0x10100] =	vst v63  }
0x35: {  	p1 =	sge.u32 s31, s8  }
.Ltmp2:
0x36: {  	_ = 	snop;
	(pc) =	sbr.rel @p1 .LBB1_5-.Ltmp2, $1  }
0x37: {  	_ =	sdelay $0x3  }
0x38: {  	s20 =	simm.s32 $0x1  }
0x39: {  	_ =	swait.ge [sflag:s5], $0x4000;
	s20 =	simm.s32 @!p0 $0x0  }
0x3a: {  	[sflag:s5] =	ssyncset.done $0x0;
	s21 =	sshll.u32 s20, $0xE  }
0x3b: {  	[sflag:s5] =	ssyncadd.s32 $0xFFFFC000;
	s22 =	sor.u32 $0x40, s21  }
0x3c: {  	s20 =	smul.u32 $0x10200, s20;
	v0 =	vld [tilespmem:s22+$0x30]  }
0x3d: {  	v3 =	vld [tilespmem:s22+$0xFFFFFFD0]  }
0x3e: {  	s20 =	sshrl.u32 s20, $0x2;
	v4 =	vld [tilespmem:s22+$0xFFFFFFE0]  }
0x3f: {  	v5 =	vld [tilespmem:s22+$0xFFFFFFF0];
	s21 =	sor.u32 $0x8000, s20  }
0x40: {  	s31 =	sand.u32 $0x1, s15;
	v1 =	vld [tilespmem:s22+$0x0];
	s23 =	sadd.s32 $0x0, s21  }
0x41: {  	v2 =	vld [tilespmem:s22+$0x10];
	s20 =	smul.u32 $0x10200, s31;
	[tilespmem:s23+$0x3870 ss:$0x81] =	vst.msk $0xffff, v0  }
0x42: {  	[tilespmem:s23+$0x810 ss:$0x81] =	vst.msk $0xffff, v3;
	v3 =	vld [tilespmem:s22+$0x20]  }
0x43: {  	s20 =	sshrl.u32 s20, $0x2;
	v0 =	vld [tilespmem:s22+$0xFFFFFFC0];
	[tilespmem:s23+$0x1020 ss:$0x81] =	vst.msk $0xffff, v4;
	s22 =	sadd.s32 $0x80, s22  }
0x44: {  	s24 =	simm.s32 $0x4;
	s25 =	simm.s32 $0x8;
	s20 =	sor.u32 $0x8000, s20;
	[tilespmem:s23+$0x1830 ss:$0x81] =	vst.msk $0xffff, v5;
	v4 =	vld [tilespmem:s22+$0x30]  }
.LBB1_3:
0x45: {  	p1 =	sne.s32 s25, $0x1FC;
	v5 =	vld [tilespmem:s22+$0xFFFFFFD0];
	[tilespmem:s23+$0x2040 ss:$0x81] =	vst.msk $0xffff, v1  }
0x46: {  	v6 =	vld [tilespmem:s22+$0xFFFFFFE0];
	[tilespmem:s23+$0x2850 ss:$0x81] =	vst.msk $0xffff, v2  }
0x47: {  	s26 =	sshra.s32 s24, $0x2;
	s24 =	smov.u32 s25;
	v7 =	vld [tilespmem:s22+$0xFFFFFFF0];
	[tilespmem:s23+$0x3060 ss:$0x81] =	vst.msk $0xffff, v3  }
.Ltmp3:
0x48: {  	v1 =	vld [tilespmem:s22+$0x0];
	[tilespmem:s23+$0x0 ss:$0x81] =	vst.msk $0xffff, v0;
	s23 =	sadd.s32 s26, s21;
	(pc) =	sbr.rel @p1 .LBB1_3-.Ltmp3, $4  }
0x49: {  	v2 =	vld [tilespmem:s22+$0x10];
	[tilespmem:s23+$0x3870 ss:$0x81] =	vst.msk $0xffff, v4  }
0x4a: {  	[tilespmem:s23+$0x810 ss:$0x81] =	vst.msk $0xffff, v5;
	v3 =	vld [tilespmem:s22+$0x20]  }
0x4b: {  	v0 =	vld [tilespmem:s22+$0xFFFFFFC0];
	[tilespmem:s23+$0x1020 ss:$0x81] =	vst.msk $0xffff, v6;
	s22 =	sadd.s32 $0x80, s22  }
0x4c: {  	s25 =	sadd.s32 $0x4, s25;
	v4 =	vld [tilespmem:s22+$0x30];
	[tilespmem:s23+$0x1830 ss:$0x81] =	vst.msk $0xffff, v7  }
.Ltmp4:
0x4d: {  	_ = 	snop;
	(pc) =	sbr.rel .LBB1_4-.Ltmp4, $1  }
0x4e: {  	_ =	sdelay $0x3  }
.LBB1_6:
0x4f: {  	_ =	sfence.sel $0x180000  }
0x50: {  	s1 =	simm.s32 $0x1;
	[bflag:$0x0] =	sbarrier.arrive $0xFFFF  }
0x51: {  	s31 =	simm.s32 $0x2;
	[sflag:s1] =	ssyncpa.u1 $0x1  }
0x52: {  	[sflag:s31] =	ssyncpa.u1 $0x1  }
0x53: {  	p0 =	sne.s32 s0, $0x0;
	_ =	strace $0x90000047  }
0x54: {  	s0 =	sadd.s32 @!p0 $0x100000, s2;
	[bflag:$0x2] =	sbarrier.arrive $0xFFFF  }
0x55: {  	[sflag:s0] =	ssyncadd.tile.s32 @!p0 $0x1;
	_ =	shalt  }
.Lfunc_end1:
_tile_overlayer_lowered:
.L_overlay_start_2:
0x56: {  	(tag) =	ssettag $0x2  }
0x57: {  	s0 =	rddreg [dreg:$0x0];
	s2 =	stileid.u32  }
0x58: {  	s1 =	rddreg [dreg:$0x1];
	p0 =	sne.s32 s2, $0x0  }
0x59: {  	s3 =	rddreg [dreg:$0x2];
	[bflag:$0x3] =	sbarrier.arrive $0xFFFF;
	s2 =	simm.s32 @!p0 $0x1C01  }
0x5a: {  	[timem:s3], [sflag:s2] =	dma.local @!p0 [hbm:s0], s1  }
0x5b: {  	s0 =	simm.s32 @!p0 $0x1  }
0x5c: {  	_ =	swait.ge @!p0 [sflag:s0], s1  }
0x5d: {  	s1 =	ssub.s32 @!p0 $0x0, s1;
	[sflag:s0] =	ssyncset.done @!p0 $0x0  }
0x5e: {  	[sflag:s0] =	ssyncadd.s32 @!p0 s1  }
0x5f: {  	[bflag:$0x3] =	sbarrier.arrive $0xFFFF  }
0x60: {  	_ =	shalt  }

</sc_bundles>
